<compile_context>
chip_gen: v7x
topology: tpu7x:2x2x1
jax: 0.10.2.dev20260603
libtpu: 0.0.44.dev20260713+nightly
codegen_flags: <defaults>
</compile_context>

<pallas_src>
import functools

import jax
import jax.numpy as jnp
from jax import lax
from jax.experimental import pallas as pl
from jax.experimental.pallas import tpu as pltpu
from jax.experimental.pallas import tpu_sc as plsc

_EPS = 1e-5
_PACK = 8
_BE = 16000

_NC = 2
_NS = 16
_NW = _NC * _NS
_C = 3200
_G = _C // 16


_LOG2E = 1.4426950408889634
_LN2 = 0.6931471805599453


def _softplus(z):
    return jnp.maximum(z, 0.0) + _LN2 * jnp.log2(1.0 + jnp.exp2(jnp.abs(z) * -_LOG2E))


def _make_stats_body(nl):

    def body(*args):
        x_ref = args[0]
        p = 1
        h = x_ref[...]
        for _ in range(nl):
            wb = args[p][...]
            a = args[p + 1][...]
            c2 = args[p + 2][...]
            p += 3
            h = _softplus(jnp.dot(h, wb, preferred_element_type=jnp.float32) * a + c2)
        wb = args[p][...]
        sum_ref = args[p + 1]
        sq_ref = args[p + 2]
        h = jnp.dot(h, wb, preferred_element_type=jnp.float32)

        @pl.when(pl.program_id(0) == 0)
        def _():
            sum_ref[...] = jnp.zeros_like(sum_ref)
            sq_ref[...] = jnp.zeros_like(sq_ref)

        sum_ref[...] += jnp.sum(h, axis=0, keepdims=True)
        sq_ref[...] += jnp.sum(h * h, axis=0, keepdims=True)

    return body


def _make_final_body(nl):

    def body(*args):
        x_ref = args[0]
        p = 1
        h = x_ref[...]
        for _ in range(nl):
            wb = args[p][...]
            a = args[p + 1][...]
            c2 = args[p + 2][...]
            p += 3
            h = _softplus(jnp.dot(h, wb, preferred_element_type=jnp.float32) * a + c2)
        wo = args[p][...]
        bo = args[p + 1]
        out_ref = args[p + 2]
        s8 = jnp.dot(h, wo, preferred_element_type=jnp.float32) + bo[0, 0]
        out_ref[...] = s8.T

    return body


def _full_spec():
    return pl.BlockSpec((128, 128), lambda i: (0, 0))


def _vec_spec():
    return pl.BlockSpec((1, 128), lambda i: (0, 0))


def _stats_pass(xp, known, wb_next, grid):
    ops = [xp]
    specs = [pl.BlockSpec((_BE, 128), lambda i: (i, 0))]
    for (wb, a, c2) in known:
        ops += [wb, a, c2]
        specs += [_full_spec(), _vec_spec(), _vec_spec()]
    ops += [wb_next]
    specs += [_full_spec()]
    return pl.pallas_call(
        _make_stats_body(len(known)),
        grid=(grid,),
        in_specs=specs,
        out_specs=[_vec_spec(), _vec_spec()],
        out_shape=[jax.ShapeDtypeStruct((1, 128), jnp.float32)] * 2,
    )(*ops)


def _final_pass(xp, known, wo_sel, bo_t, grid, rows):
    ops = [xp]
    specs = [pl.BlockSpec((_BE, 128), lambda i: (i, 0))]
    for (wb, a, c2) in known:
        ops += [wb, a, c2]
        specs += [_full_spec(), _vec_spec(), _vec_spec()]
    ops += [wo_sel, bo_t]
    specs += [pl.BlockSpec((128, _PACK), lambda i: (0, 0)), _vec_spec()]
    return pl.pallas_call(
        _make_final_body(len(known)),
        grid=(grid,),
        in_specs=specs,
        out_specs=pl.BlockSpec((_PACK, _BE), lambda i: (0, i)),
        out_shape=jax.ShapeDtypeStruct((_PACK, rows), jnp.float32),
    )(*ops)


def _fold_stats(sum_v, sq_v, count, b, g, be):
    m_raw = sum_v.reshape(_PACK, 16).sum(axis=0) / count
    q_raw = sq_v.reshape(_PACK, 16).sum(axis=0) / count
    mean = m_raw + b
    var = q_raw + 2.0 * b * m_raw + b * b - mean * mean
    a16 = g / jnp.sqrt(var + _EPS)
    c16 = be - mean * a16
    c2 = b * a16 + c16
    return jnp.tile(a16, _PACK)[None, :], jnp.tile(c2, _PACK)[None, :]


def _newton_rsqrt(x):
    i = lax.bitcast_convert_type(x, jnp.int32)
    i = jnp.int32(0x5F3759DF) - (i >> 1)
    y = lax.bitcast_convert_type(i, jnp.float32)
    for _ in range(3):
        y = y * (1.5 - 0.5 * x * y * y)
    return y


def _sc_forces(pxyz, ei_i, ei_j, sxyz, s_flat, zeros_n, n_nodes, n_edges):
    total_chunks = n_edges // _C
    slots = (total_chunks + _NW - 1) // _NW
    mesh = plsc.VectorSubcoreMesh(core_axis_name="c", subcore_axis_name="s")

    @functools.partial(
        pl.kernel,
        mesh=mesh,
        out_type=[jax.ShapeDtypeStruct((n_nodes,), jnp.float32)] * 6,
        scratch_types=[
            pltpu.VMEM_SHARED((n_nodes,), jnp.float32),
            pltpu.VMEM_SHARED((n_nodes,), jnp.float32),
            pltpu.VMEM_SHARED((n_nodes,), jnp.float32),
            pltpu.VMEM_SHARED((n_nodes,), jnp.float32),
            pltpu.VMEM_SHARED((n_nodes,), jnp.float32),
            pltpu.VMEM_SHARED((n_nodes,), jnp.float32),
            pltpu.VMEM((_C,), jnp.int32),
            pltpu.VMEM((_C,), jnp.int32),
            pltpu.VMEM((_C,), jnp.float32),
            pltpu.VMEM((_C,), jnp.float32),
            pltpu.VMEM((_C,), jnp.float32),
            pltpu.VMEM((_C,), jnp.float32),
            pltpu.VMEM((_C,), jnp.float32),
            pltpu.VMEM((_C,), jnp.float32),
            pltpu.VMEM((_C,), jnp.float32),
            pltpu.VMEM((_C,), jnp.float32),
            pltpu.VMEM((_C,), jnp.float32),
            pltpu.VMEM((_C,), jnp.float32),
            pltpu.VMEM((_C,), jnp.float32),
            pltpu.VMEM((_C,), jnp.float32),
            pltpu.VMEM((_C,), jnp.float32),
            pltpu.SemaphoreType.DMA,
            pltpu.SemaphoreType.DMA,
        ],
    )
    def k(px_hbm, py_hbm, pz_hbm, ii_hbm, jj_hbm,
          shx_hbm, shy_hbm, shz_hbm, s_hbm, zero_hbm,
          ox0, oy0, oz0, ox1, oy1, oz1,
          px_sp, py_sp, pz_sp, fx_sp, fy_sp, fz_sp,
          ii_v, jj_v, sx_v, sy_v, sz_v, s_v,
          pxi_v, pyi_v, pzi_v, pxj_v, pyj_v, pzj_v,
          fx_v, fy_v, fz_v, semi, semj):
        cid = lax.axis_index("c")
        sid = lax.axis_index("s")
        wid = sid * _NC + cid

        @pl.when(sid == 0)
        def _():
            pltpu.sync_copy(px_hbm, px_sp)
            pltpu.sync_copy(py_hbm, py_sp)
            pltpu.sync_copy(pz_hbm, pz_sp)
            pltpu.sync_copy(zero_hbm, fx_sp)
            pltpu.sync_copy(zero_hbm, fy_sp)
            pltpu.sync_copy(zero_hbm, fz_sp)

        plsc.subcore_barrier()

        def chunk_body(t, carry):
            chunk = wid + t * _NW

            @pl.when(chunk < total_chunks)
            def _():
                base = pl.multiple_of(chunk * _C, _C)
                pltpu.sync_copy(ii_hbm.at[pl.ds(base, _C)], ii_v)
                pltpu.sync_copy(jj_hbm.at[pl.ds(base, _C)], jj_v)
                cpi1 = pltpu.async_copy(px_sp.at[ii_v], pxi_v, semi)
                cpi2 = pltpu.async_copy(py_sp.at[ii_v], pyi_v, semi)
                cpi3 = pltpu.async_copy(pz_sp.at[ii_v], pzi_v, semi)
                cpj1 = pltpu.async_copy(px_sp.at[jj_v], pxj_v, semj)
                cpj2 = pltpu.async_copy(py_sp.at[jj_v], pyj_v, semj)
                cpj3 = pltpu.async_copy(pz_sp.at[jj_v], pzj_v, semj)
                pltpu.sync_copy(shx_hbm.at[pl.ds(base, _C)], sx_v)
                pltpu.sync_copy(shy_hbm.at[pl.ds(base, _C)], sy_v)
                pltpu.sync_copy(shz_hbm.at[pl.ds(base, _C)], sz_v)
                pltpu.sync_copy(s_hbm.at[pl.ds(base, _C)], s_v)
                cpi1.wait()
                cpi2.wait()
                cpi3.wait()
                cpj1.wait()
                cpj2.wait()
                cpj3.wait()

                def group_body(gi, gcarry):
                    o = pl.ds(pl.multiple_of(gi * 16, 16), 16)
                    dx = pxi_v[o] + sx_v[o] - pxj_v[o]
                    dy = pyi_v[o] + sy_v[o] - pyj_v[o]
                    dz = pzi_v[o] + sz_v[o] - pzj_v[o]
                    r2 = dx * dx + dy * dy + dz * dz
                    f = s_v[o] * _newton_rsqrt(r2)
                    fx_v[o] = dx * f
                    fy_v[o] = dy * f
                    fz_v[o] = dz * f
                    return gcarry

                lax.fori_loop(0, _G, group_body, 0)
                pltpu.sync_copy(fx_v, fx_sp.at[ii_v], add=True)
                pltpu.sync_copy(fy_v, fy_sp.at[ii_v], add=True)
                pltpu.sync_copy(fz_v, fz_sp.at[ii_v], add=True)

            return carry

        lax.fori_loop(0, slots, chunk_body, 0)
        plsc.subcore_barrier()

        @pl.when((sid == 0) & (cid == 0))
        def _():
            pltpu.sync_copy(fx_sp, ox0)
            pltpu.sync_copy(fy_sp, oy0)
            pltpu.sync_copy(fz_sp, oz0)

        @pl.when((sid == 0) & (cid == 1))
        def _():
            pltpu.sync_copy(fx_sp, ox1)
            pltpu.sync_copy(fy_sp, oy1)
            pltpu.sync_copy(fz_sp, oz1)

    return k(pxyz[0], pxyz[1], pxyz[2], ei_i, ei_j,
             sxyz[0], sxyz[1], sxyz[2], s_flat, zeros_n)


def kernel(pos, edge_index, nbr_shift, edge_attr,
           W0, b0, g0, be0, W1, b1, g1, be1, W2, b2, g2, be2, Wo, bo):
    n_nodes = pos.shape[0]
    n_edges = edge_attr.shape[0]
    d = edge_attr.shape[1]
    rows = n_edges // _PACK
    grid = rows // _BE

    f32 = jnp.float32
    eye8 = jnp.eye(_PACK, dtype=f32)

    wbs = [jnp.kron(eye8, W) for W in (W0, W1, W2)]
    bs = (b0, b1, b2)
    gs = (g0, g1, g2)
    bes = (be0, be1, be2)

    ei_j = edge_index[0]
    ei_i = edge_index[1]
    sxyz = tuple(nbr_shift[:, k] for k in range(3))
    pxyz = tuple(pos[:, k] for k in range(3))
    zeros_n = jnp.zeros((n_nodes,), f32)

    xp = edge_attr.reshape(rows, _PACK * d)

    count = jnp.float32(n_edges)
    known = []
    for l in range(3):
        sum_v, sq_v = _stats_pass(xp, known, wbs[l], grid)
        a, c2 = _fold_stats(sum_v, sq_v, count, bs[l], gs[l], bes[l])
        known.append((wbs[l], a, c2))

    wo_sel = jnp.kron(eye8, Wo)
    bo_t = jnp.broadcast_to(bo, (128,))[None, :]
    s2d = _final_pass(xp, known, wo_sel, bo_t, grid, rows)
    s_flat = s2d.T.reshape(-1)

    fx0, fy0, fz0, fx1, fy1, fz1 = _sc_forces(
        pxyz, ei_i, ei_j, sxyz, s_flat, zeros_n, n_nodes, n_edges)
    return jnp.stack([fx0 + fx1, fy0 + fy1, fz0 + fz1], axis=1)

# --- scband reference (transcript-rebuilt; emitter-appended) ---
"""Pipeline reference for scband-force-55525337202860 (READ-ONLY COPY).

The authoritative reference and input builder live on the scoring server;
editing this copy changes nothing except your own understanding.
"""

import jax, jax.numpy as jnp
import numpy as np

N = 100000
E = 3200000
D = 16
N_H = 3
EPS = 1e-5


def setup_inputs(seed: int = 0) -> dict:
    key = jax.random.key(seed)
    ks = jax.random.split(key, 32)
    inp = {}
    inp["pos"] = jax.random.normal(ks[0], (N, 3), dtype=jnp.float32) * 10.0
    inp["edge_index"] = jax.random.randint(ks[1], (2, E), 0, N, dtype=jnp.int32)
    inp["nbr_shift"] = jax.random.normal(ks[2], (E, 3), dtype=jnp.float32) * 0.1
    inp["edge_attr"] = jax.random.normal(ks[3], (E, D), dtype=jnp.float32)
    scale = 1.0 / np.sqrt(D)
    kidx = 4
    for l in range(N_H):
        inp[f"W{l}"] = jax.random.uniform(ks[kidx], (D, D), dtype=jnp.float32, minval=-scale, maxval=scale); kidx += 1
        inp[f"b{l}"] = jax.random.uniform(ks[kidx], (D,), dtype=jnp.float32, minval=-scale, maxval=scale); kidx += 1
        inp[f"g{l}"] = jnp.ones((D,), dtype=jnp.float32)
        inp[f"be{l}"] = jnp.zeros((D,), dtype=jnp.float32)
    inp["Wo"] = jax.random.uniform(ks[kidx], (D, 1), dtype=jnp.float32, minval=-scale, maxval=scale); kidx += 1
    inp["bo"] = jax.random.uniform(ks[kidx], (1,), dtype=jnp.float32, minval=-scale, maxval=scale)
    return inp


def _dense_regression(h, layers, Wo, bo):
    # n_h x (Linear -> BatchNorm1d (training-mode batch stats) -> Softplus), then Linear to 1
    for (W, b, g, be) in layers:
        h = h @ W + b
        mean = jnp.mean(h, axis=0)
        var = jnp.var(h, axis=0)
        h = (h - mean) / jnp.sqrt(var + EPS) * g + be
        h = jax.nn.softplus(h)
    return h @ Wo + bo


def reference(pos, edge_index, nbr_shift, edge_attr,
              W0, b0, g0, be0, W1, b1, g1, be1, W2, b2, g2, be2, Wo, bo):
    j = edge_index[0]
    i = edge_index[1]
    edge_dir = pos[i] + nbr_shift - pos[j]
    edge_length = jnp.sqrt(jnp.sum(edge_dir ** 2, axis=-1))
    edge_dir = edge_dir / edge_length[:, None]
    layers = ((W0, b0, g0, be0), (W1, b1, g1, be1), (W2, b2, g2, be2))
    s = _dense_regression(edge_attr, layers, Wo, bo)  # [E, 1]
    force_e = s * edge_dir  # [E, 3]
    force = jax.ops.segment_sum(force_e, i, num_segments=N)  # scatter-add over dst nodes
    return force

if __name__ == "__main__":
    import jax
    _d = setup_inputs()
    print(jax.jit(kernel)(*tuple(_d.values())))

</pallas_src>

<mosaic_0001>
#map = affine_map<(d0, d1) -> (0)>
module attributes {stable_mosaic.version = 14 : i64} {
  func.func @k(%arg0: i32, %arg1: i32, %arg2: memref<100000xf32, #tpu.memory_space<hbm>>, %arg3: memref<100000xf32, #tpu.memory_space<hbm>>, %arg4: memref<100000xf32, #tpu.memory_space<hbm>>, %arg5: memref<3200000xi32, #tpu.memory_space<hbm>>, %arg6: memref<3200000xi32, #tpu.memory_space<hbm>>, %arg7: memref<3200000xf32, #tpu.memory_space<hbm>>, %arg8: memref<3200000xf32, #tpu.memory_space<hbm>>, %arg9: memref<3200000xf32, #tpu.memory_space<hbm>>, %arg10: memref<3200000xf32, #tpu.memory_space<hbm>>, %arg11: memref<100000xf32, #tpu.memory_space<hbm>>, %arg12: memref<100000xf32, #tpu.memory_space<hbm>>, %arg13: memref<100000xf32, #tpu.memory_space<hbm>>, %arg14: memref<100000xf32, #tpu.memory_space<hbm>>, %arg15: memref<100000xf32, #tpu.memory_space<hbm>>, %arg16: memref<100000xf32, #tpu.memory_space<hbm>>, %arg17: memref<100000xf32, #tpu.memory_space<hbm>>, %arg18: memref<100000xf32, #tpu.memory_space<vmem_shared>>, %arg19: memref<100000xf32, #tpu.memory_space<vmem_shared>>, %arg20: memref<100000xf32, #tpu.memory_space<vmem_shared>>, %arg21: memref<100000xf32, #tpu.memory_space<vmem_shared>>, %arg22: memref<100000xf32, #tpu.memory_space<vmem_shared>>, %arg23: memref<100000xf32, #tpu.memory_space<vmem_shared>>, %arg24: memref<3200xi32, #tpu.memory_space<vmem>>, %arg25: memref<3200xi32, #tpu.memory_space<vmem>>, %arg26: memref<3200xf32, #tpu.memory_space<vmem>>, %arg27: memref<3200xf32, #tpu.memory_space<vmem>>, %arg28: memref<3200xf32, #tpu.memory_space<vmem>>, %arg29: memref<3200xf32, #tpu.memory_space<vmem>>, %arg30: memref<3200xf32, #tpu.memory_space<vmem>>, %arg31: memref<3200xf32, #tpu.memory_space<vmem>>, %arg32: memref<3200xf32, #tpu.memory_space<vmem>>, %arg33: memref<3200xf32, #tpu.memory_space<vmem>>, %arg34: memref<3200xf32, #tpu.memory_space<vmem>>, %arg35: memref<3200xf32, #tpu.memory_space<vmem>>, %arg36: memref<3200xf32, #tpu.memory_space<vmem>>, %arg37: memref<3200xf32, #tpu.memory_space<vmem>>, %arg38: memref<3200xf32, #tpu.memory_space<vmem>>, %arg39: memref<!tpu.dma_semaphore, #tpu.memory_space<semaphore_mem>>, %arg40: memref<!tpu.dma_semaphore, #tpu.memory_space<semaphore_mem>>) attributes {dimension_semantics = [#tpu.dimension_semantics<core_parallel>, #tpu.dimension_semantics<subcore_parallel>], iteration_bounds = array<i64: 2, 16>, scalar_prefetch = 0 : i64, scratch_operands = 23 : i64, tpu.core_type = #tpu.core_type<sc_vector_subcore>, window_params = [{transform_indices = #map}, {transform_indices = #map}, {transform_indices = #map}, {transform_indices = #map}, {transform_indices = #map}, {transform_indices = #map}, {transform_indices = #map}, {transform_indices = #map}, {transform_indices = #map}, {transform_indices = #map}, {transform_indices = #map}, {transform_indices = #map}, {transform_indices = #map}, {transform_indices = #map}, {transform_indices = #map}, {transform_indices = #map}]} {
    %mul3A = arith.constant 2 : i32
    %mul3A_0 = arith.muli %arg1, %mul3A : i32
    %add3A = arith.addi %mul3A_0, %arg0 : i32
    %eq3A = arith.constant 0 : i32
    %eq3A_1 = arith.cmpi eq, %arg1, %eq3A : i32
    %convert_element_type3A = arith.extui %eq3A_1 : i1 to i32
    %cond3A = arith.constant 0 : i32
    %cond3A_2 = arith.cmpi ne, %convert_element_type3A, %cond3A : i32
    scf.if %cond3A_2 {
      "tpu.region"() ({
        %run_scoped3A = tpu.sem_alloc : memref<!tpu.dma_semaphore, #tpu.memory_space<semaphore_mem>>
        tpu.enqueue_dma source(%arg2 : memref<100000xf32, #tpu.memory_space<hbm>>) target(%arg18 : memref<100000xf32, #tpu.memory_space<vmem_shared>>) target_semaphore(%run_scoped3A : memref<!tpu.dma_semaphore, #tpu.memory_space<semaphore_mem>>)
        tpu.wait_dma2 semaphore(%run_scoped3A : memref<!tpu.dma_semaphore, #tpu.memory_space<semaphore_mem>>) src(%arg2 : memref<100000xf32, #tpu.memory_space<hbm>>) dst(%arg18 : memref<100000xf32, #tpu.memory_space<vmem_shared>>)
        tpu.yield
      }) : () -> ()
      "tpu.region"() ({
        %run_scoped3A = tpu.sem_alloc : memref<!tpu.dma_semaphore, #tpu.memory_space<semaphore_mem>>
        tpu.enqueue_dma source(%arg3 : memref<100000xf32, #tpu.memory_space<hbm>>) target(%arg19 : memref<100000xf32, #tpu.memory_space<vmem_shared>>) target_semaphore(%run_scoped3A : memref<!tpu.dma_semaphore, #tpu.memory_space<semaphore_mem>>)
        tpu.wait_dma2 semaphore(%run_scoped3A : memref<!tpu.dma_semaphore, #tpu.memory_space<semaphore_mem>>) src(%arg3 : memref<100000xf32, #tpu.memory_space<hbm>>) dst(%arg19 : memref<100000xf32, #tpu.memory_space<vmem_shared>>)
        tpu.yield
      }) : () -> ()
      "tpu.region"() ({
        %run_scoped3A = tpu.sem_alloc : memref<!tpu.dma_semaphore, #tpu.memory_space<semaphore_mem>>
        tpu.enqueue_dma source(%arg4 : memref<100000xf32, #tpu.memory_space<hbm>>) target(%arg20 : memref<100000xf32, #tpu.memory_space<vmem_shared>>) target_semaphore(%run_scoped3A : memref<!tpu.dma_semaphore, #tpu.memory_space<semaphore_mem>>)
        tpu.wait_dma2 semaphore(%run_scoped3A : memref<!tpu.dma_semaphore, #tpu.memory_space<semaphore_mem>>) src(%arg4 : memref<100000xf32, #tpu.memory_space<hbm>>) dst(%arg20 : memref<100000xf32, #tpu.memory_space<vmem_shared>>)
        tpu.yield
      }) : () -> ()
      "tpu.region"() ({
        %run_scoped3A = tpu.sem_alloc : memref<!tpu.dma_semaphore, #tpu.memory_space<semaphore_mem>>
        tpu.enqueue_dma source(%arg11 : memref<100000xf32, #tpu.memory_space<hbm>>) target(%arg21 : memref<100000xf32, #tpu.memory_space<vmem_shared>>) target_semaphore(%run_scoped3A : memref<!tpu.dma_semaphore, #tpu.memory_space<semaphore_mem>>)
        tpu.wait_dma2 semaphore(%run_scoped3A : memref<!tpu.dma_semaphore, #tpu.memory_space<semaphore_mem>>) src(%arg11 : memref<100000xf32, #tpu.memory_space<hbm>>) dst(%arg21 : memref<100000xf32, #tpu.memory_space<vmem_shared>>)
        tpu.yield
      }) : () -> ()
      "tpu.region"() ({
        %run_scoped3A = tpu.sem_alloc : memref<!tpu.dma_semaphore, #tpu.memory_space<semaphore_mem>>
        tpu.enqueue_dma source(%arg11 : memref<100000xf32, #tpu.memory_space<hbm>>) target(%arg22 : memref<100000xf32, #tpu.memory_space<vmem_shared>>) target_semaphore(%run_scoped3A : memref<!tpu.dma_semaphore, #tpu.memory_space<semaphore_mem>>)
        tpu.wait_dma2 semaphore(%run_scoped3A : memref<!tpu.dma_semaphore, #tpu.memory_space<semaphore_mem>>) src(%arg11 : memref<100000xf32, #tpu.memory_space<hbm>>) dst(%arg22 : memref<100000xf32, #tpu.memory_space<vmem_shared>>)
        tpu.yield
      }) : () -> ()
      "tpu.region"() ({
        %run_scoped3A = tpu.sem_alloc : memref<!tpu.dma_semaphore, #tpu.memory_space<semaphore_mem>>
        tpu.enqueue_dma source(%arg11 : memref<100000xf32, #tpu.memory_space<hbm>>) target(%arg23 : memref<100000xf32, #tpu.memory_space<vmem_shared>>) target_semaphore(%run_scoped3A : memref<!tpu.dma_semaphore, #tpu.memory_space<semaphore_mem>>)
        tpu.wait_dma2 semaphore(%run_scoped3A : memref<!tpu.dma_semaphore, #tpu.memory_space<semaphore_mem>>) src(%arg11 : memref<100000xf32, #tpu.memory_space<hbm>>) dst(%arg23 : memref<100000xf32, #tpu.memory_space<vmem_shared>>)
        tpu.yield
      }) : () -> ()
    } else {
    }
    %barrier3A = arith.constant 0 : index
    tpu.barrier barrier_id(%barrier3A)
    %scan3A = arith.constant 0 : i32
    %scan3A_3 = arith.constant 0 : i32
    %scan3A_4 = arith.constant 32 : i32
    %scan3A_5 = arith.addi %scan3A_3, %scan3A_4 : i32
    %scan3A_6 = arith.constant 1 : i32
    scf.for %scan3A_24 = %scan3A_3 to %scan3A_5 step %scan3A_6  : i32 {
      %mul3A_25 = arith.constant 32 : i32
      %mul3A_26 = arith.muli %scan3A_24, %mul3A_25 : i32
      %add3A_27 = arith.addi %add3A, %mul3A_26 : i32
      %lt3A = arith.constant 1000 : i32
      %lt3A_28 = arith.cmpi slt, %add3A_27, %lt3A : i32
      %convert_element_type3A_29 = arith.extui %lt3A_28 : i1 to i32
      %cond3A_30 = arith.constant 0 : i32
      %cond3A_31 = arith.cmpi ne, %convert_element_type3A_29, %cond3A_30 : i32
      scf.if %cond3A_31 {
        %mul3A_32 = arith.constant 3200 : i32
        %mul3A_33 = arith.muli %add3A_27, %mul3A_32 : i32
        %multiple_of3A = tpu.assume_multiple %mul3A_33, 3200 : i32
        "tpu.region"() ({
          %run_scoped3A = tpu.sem_alloc : memref<!tpu.dma_semaphore, #tpu.memory_space<semaphore_mem>>
          %dma_start3A_62 = tpu.memref_slice %arg5[%multiple_of3A] : memref<3200000xi32, #tpu.memory_space<hbm>> -> memref<3200xi32, #tpu.memory_space<hbm>>
          %dma_start3A_63 = tpu.memref_slice %arg5[%multiple_of3A] : memref<3200000xi32, #tpu.memory_space<hbm>> -> memref<3200xi32, #tpu.memory_space<hbm>>
          tpu.enqueue_dma source(%dma_start3A_63 : memref<3200xi32, #tpu.memory_space<hbm>>) target(%arg24 : memref<3200xi32, #tpu.memory_space<vmem>>) target_semaphore(%run_scoped3A : memref<!tpu.dma_semaphore, #tpu.memory_space<semaphore_mem>>)
          %dma_wait3A_64 = tpu.memref_slice %arg5[%multiple_of3A] : memref<3200000xi32, #tpu.memory_space<hbm>> -> memref<3200xi32, #tpu.memory_space<hbm>>
          %dma_wait3A_65 = tpu.memref_slice %arg5[%multiple_of3A] : memref<3200000xi32, #tpu.memory_space<hbm>> -> memref<3200xi32, #tpu.memory_space<hbm>>
          tpu.wait_dma2 semaphore(%run_scoped3A : memref<!tpu.dma_semaphore, #tpu.memory_space<semaphore_mem>>) src(%dma_wait3A_65 : memref<3200xi32, #tpu.memory_space<hbm>>) dst(%arg24 : memref<3200xi32, #tpu.memory_space<vmem>>)
          tpu.yield
        }) : () -> ()
        "tpu.region"() ({
          %run_scoped3A = tpu.sem_alloc : memref<!tpu.dma_semaphore, #tpu.memory_space<semaphore_mem>>
          %dma_start3A_62 = tpu.memref_slice %arg6[%multiple_of3A] : memref<3200000xi32, #tpu.memory_space<hbm>> -> memref<3200xi32, #tpu.memory_space<hbm>>
          %dma_start3A_63 = tpu.memref_slice %arg6[%multiple_of3A] : memref<3200000xi32, #tpu.memory_space<hbm>> -> memref<3200xi32, #tpu.memory_space<hbm>>
          tpu.enqueue_dma source(%dma_start3A_63 : memref<3200xi32, #tpu.memory_space<hbm>>) target(%arg25 : memref<3200xi32, #tpu.memory_space<vmem>>) target_semaphore(%run_scoped3A : memref<!tpu.dma_semaphore, #tpu.memory_space<semaphore_mem>>)
          %dma_wait3A_64 = tpu.memref_slice %arg6[%multiple_of3A] : memref<3200000xi32, #tpu.memory_space<hbm>> -> memref<3200xi32, #tpu.memory_space<hbm>>
          %dma_wait3A_65 = tpu.memref_slice %arg6[%multiple_of3A] : memref<3200000xi32, #tpu.memory_space<hbm>> -> memref<3200xi32, #tpu.memory_space<hbm>>
          tpu.wait_dma2 semaphore(%run_scoped3A : memref<!tpu.dma_semaphore, #tpu.memory_space<semaphore_mem>>) src(%dma_wait3A_65 : memref<3200xi32, #tpu.memory_space<hbm>>) dst(%arg25 : memref<3200xi32, #tpu.memory_space<vmem>>)
          tpu.yield
        }) : () -> ()
        %dma_start3A = arith.constant 0 : i32
        %dma_start3A_34 = tpu.memref_slice %arg18[%dma_start3A] : memref<100000xf32, #tpu.memory_space<vmem_shared>> -> memref<100000xf32, #tpu.memory_space<vmem_shared>>
        tpu.enqueue_indirect_dma source(%dma_start3A_34 : memref<100000xf32, #tpu.memory_space<vmem_shared>>) target(%arg30 : memref<3200xf32, #tpu.memory_space<vmem>>) offsets(%arg24 : memref<3200xi32, #tpu.memory_space<vmem>>) semaphore(%arg39 : memref<!tpu.dma_semaphore, #tpu.memory_space<semaphore_mem>>)
        %dma_start3A_35 = arith.constant 0 : i32
        %dma_start3A_36 = tpu.memref_slice %arg19[%dma_start3A_35] : memref<100000xf32, #tpu.memory_space<vmem_shared>> -> memref<100000xf32, #tpu.memory_space<vmem_shared>>
        tpu.enqueue_indirect_dma source(%dma_start3A_36 : memref<100000xf32, #tpu.memory_space<vmem_shared>>) target(%arg31 : memref<3200xf32, #tpu.memory_space<vmem>>) offsets(%arg24 : memref<3200xi32, #tpu.memory_space<vmem>>) semaphore(%arg39 : memref<!tpu.dma_semaphore, #tpu.memory_space<semaphore_mem>>)
        %dma_start3A_37 = arith.constant 0 : i32
        %dma_start3A_38 = tpu.memref_slice %arg20[%dma_start3A_37] : memref<100000xf32, #tpu.memory_space<vmem_shared>> -> memref<100000xf32, #tpu.memory_space<vmem_shared>>
        tpu.enqueue_indirect_dma source(%dma_start3A_38 : memref<100000xf32, #tpu.memory_space<vmem_shared>>) target(%arg32 : memref<3200xf32, #tpu.memory_space<vmem>>) offsets(%arg24 : memref<3200xi32, #tpu.memory_space<vmem>>) semaphore(%arg39 : memref<!tpu.dma_semaphore, #tpu.memory_space<semaphore_mem>>)
        %dma_start3A_39 = arith.constant 0 : i32
        %dma_start3A_40 = tpu.memref_slice %arg18[%dma_start3A_39] : memref<100000xf32, #tpu.memory_space<vmem_shared>> -> memref<100000xf32, #tpu.memory_space<vmem_shared>>
        tpu.enqueue_indirect_dma source(%dma_start3A_40 : memref<100000xf32, #tpu.memory_space<vmem_shared>>) target(%arg33 : memref<3200xf32, #tpu.memory_space<vmem>>) offsets(%arg25 : memref<3200xi32, #tpu.memory_space<vmem>>) semaphore(%arg40 : memref<!tpu.dma_semaphore, #tpu.memory_space<semaphore_mem>>)
        %dma_start3A_41 = arith.constant 0 : i32
        %dma_start3A_42 = tpu.memref_slice %arg19[%dma_start3A_41] : memref<100000xf32, #tpu.memory_space<vmem_shared>> -> memref<100000xf32, #tpu.memory_space<vmem_shared>>
        tpu.enqueue_indirect_dma source(%dma_start3A_42 : memref<100000xf32, #tpu.memory_space<vmem_shared>>) target(%arg34 : memref<3200xf32, #tpu.memory_space<vmem>>) offsets(%arg25 : memref<3200xi32, #tpu.memory_space<vmem>>) semaphore(%arg40 : memref<!tpu.dma_semaphore, #tpu.memory_space<semaphore_mem>>)
        %dma_start3A_43 = arith.constant 0 : i32
        %dma_start3A_44 = tpu.memref_slice %arg20[%dma_start3A_43] : memref<100000xf32, #tpu.memory_space<vmem_shared>> -> memref<100000xf32, #tpu.memory_space<vmem_shared>>
        tpu.enqueue_indirect_dma source(%dma_start3A_44 : memref<100000xf32, #tpu.memory_space<vmem_shared>>) target(%arg35 : memref<3200xf32, #tpu.memory_space<vmem>>) offsets(%arg25 : memref<3200xi32, #tpu.memory_space<vmem>>) semaphore(%arg40 : memref<!tpu.dma_semaphore, #tpu.memory_space<semaphore_mem>>)
        "tpu.region"() ({
          %run_scoped3A = tpu.sem_alloc : memref<!tpu.dma_semaphore, #tpu.memory_space<semaphore_mem>>
          %dma_start3A_62 = tpu.memref_slice %arg7[%multiple_of3A] : memref<3200000xf32, #tpu.memory_space<hbm>> -> memref<3200xf32, #tpu.memory_space<hbm>>
          %dma_start3A_63 = tpu.memref_slice %arg7[%multiple_of3A] : memref<3200000xf32, #tpu.memory_space<hbm>> -> memref<3200xf32, #tpu.memory_space<hbm>>
          tpu.enqueue_dma source(%dma_start3A_63 : memref<3200xf32, #tpu.memory_space<hbm>>) target(%arg26 : memref<3200xf32, #tpu.memory_space<vmem>>) target_semaphore(%run_scoped3A : memref<!tpu.dma_semaphore, #tpu.memory_space<semaphore_mem>>)
          %dma_wait3A_64 = tpu.memref_slice %arg7[%multiple_of3A] : memref<3200000xf32, #tpu.memory_space<hbm>> -> memref<3200xf32, #tpu.memory_space<hbm>>
          %dma_wait3A_65 = tpu.memref_slice %arg7[%multiple_of3A] : memref<3200000xf32, #tpu.memory_space<hbm>> -> memref<3200xf32, #tpu.memory_space<hbm>>
          tpu.wait_dma2 semaphore(%run_scoped3A : memref<!tpu.dma_semaphore, #tpu.memory_space<semaphore_mem>>) src(%dma_wait3A_65 : memref<3200xf32, #tpu.memory_space<hbm>>) dst(%arg26 : memref<3200xf32, #tpu.memory_space<vmem>>)
          tpu.yield
        }) : () -> ()
        "tpu.region"() ({
          %run_scoped3A = tpu.sem_alloc : memref<!tpu.dma_semaphore, #tpu.memory_space<semaphore_mem>>
          %dma_start3A_62 = tpu.memref_slice %arg8[%multiple_of3A] : memref<3200000xf32, #tpu.memory_space<hbm>> -> memref<3200xf32, #tpu.memory_space<hbm>>
          %dma_start3A_63 = tpu.memref_slice %arg8[%multiple_of3A] : memref<3200000xf32, #tpu.memory_space<hbm>> -> memref<3200xf32, #tpu.memory_space<hbm>>
          tpu.enqueue_dma source(%dma_start3A_63 : memref<3200xf32, #tpu.memory_space<hbm>>) target(%arg27 : memref<3200xf32, #tpu.memory_space<vmem>>) target_semaphore(%run_scoped3A : memref<!tpu.dma_semaphore, #tpu.memory_space<semaphore_mem>>)
          %dma_wait3A_64 = tpu.memref_slice %arg8[%multiple_of3A] : memref<3200000xf32, #tpu.memory_space<hbm>> -> memref<3200xf32, #tpu.memory_space<hbm>>
          %dma_wait3A_65 = tpu.memref_slice %arg8[%multiple_of3A] : memref<3200000xf32, #tpu.memory_space<hbm>> -> memref<3200xf32, #tpu.memory_space<hbm>>
          tpu.wait_dma2 semaphore(%run_scoped3A : memref<!tpu.dma_semaphore, #tpu.memory_space<semaphore_mem>>) src(%dma_wait3A_65 : memref<3200xf32, #tpu.memory_space<hbm>>) dst(%arg27 : memref<3200xf32, #tpu.memory_space<vmem>>)
          tpu.yield
        }) : () -> ()
        "tpu.region"() ({
          %run_scoped3A = tpu.sem_alloc : memref<!tpu.dma_semaphore, #tpu.memory_space<semaphore_mem>>
          %dma_start3A_62 = tpu.memref_slice %arg9[%multiple_of3A] : memref<3200000xf32, #tpu.memory_space<hbm>> -> memref<3200xf32, #tpu.memory_space<hbm>>
          %dma_start3A_63 = tpu.memref_slice %arg9[%multiple_of3A] : memref<3200000xf32, #tpu.memory_space<hbm>> -> memref<3200xf32, #tpu.memory_space<hbm>>
          tpu.enqueue_dma source(%dma_start3A_63 : memref<3200xf32, #tpu.memory_space<hbm>>) target(%arg28 : memref<3200xf32, #tpu.memory_space<vmem>>) target_semaphore(%run_scoped3A : memref<!tpu.dma_semaphore, #tpu.memory_space<semaphore_mem>>)
          %dma_wait3A_64 = tpu.memref_slice %arg9[%multiple_of3A] : memref<3200000xf32, #tpu.memory_space<hbm>> -> memref<3200xf32, #tpu.memory_space<hbm>>
          %dma_wait3A_65 = tpu.memref_slice %arg9[%multiple_of3A] : memref<3200000xf32, #tpu.memory_space<hbm>> -> memref<3200xf32, #tpu.memory_space<hbm>>
          tpu.wait_dma2 semaphore(%run_scoped3A : memref<!tpu.dma_semaphore, #tpu.memory_space<semaphore_mem>>) src(%dma_wait3A_65 : memref<3200xf32, #tpu.memory_space<hbm>>) dst(%arg28 : memref<3200xf32, #tpu.memory_space<vmem>>)
          tpu.yield
        }) : () -> ()
        "tpu.region"() ({
          %run_scoped3A = tpu.sem_alloc : memref<!tpu.dma_semaphore, #tpu.memory_space<semaphore_mem>>
          %dma_start3A_62 = tpu.memref_slice %arg10[%multiple_of3A] : memref<3200000xf32, #tpu.memory_space<hbm>> -> memref<3200xf32, #tpu.memory_space<hbm>>
          %dma_start3A_63 = tpu.memref_slice %arg10[%multiple_of3A] : memref<3200000xf32, #tpu.memory_space<hbm>> -> memref<3200xf32, #tpu.memory_space<hbm>>
          tpu.enqueue_dma source(%dma_start3A_63 : memref<3200xf32, #tpu.memory_space<hbm>>) target(%arg29 : memref<3200xf32, #tpu.memory_space<vmem>>) target_semaphore(%run_scoped3A : memref<!tpu.dma_semaphore, #tpu.memory_space<semaphore_mem>>)
          %dma_wait3A_64 = tpu.memref_slice %arg10[%multiple_of3A] : memref<3200000xf32, #tpu.memory_space<hbm>> -> memref<3200xf32, #tpu.memory_space<hbm>>
          %dma_wait3A_65 = tpu.memref_slice %arg10[%multiple_of3A] : memref<3200000xf32, #tpu.memory_space<hbm>> -> memref<3200xf32, #tpu.memory_space<hbm>>
          tpu.wait_dma2 semaphore(%run_scoped3A : memref<!tpu.dma_semaphore, #tpu.memory_space<semaphore_mem>>) src(%dma_wait3A_65 : memref<3200xf32, #tpu.memory_space<hbm>>) dst(%arg29 : memref<3200xf32, #tpu.memory_space<vmem>>)
          tpu.yield
        }) : () -> ()
        %dma_wait3A = arith.constant 0 : i32
        %dma_wait3A_45 = tpu.memref_slice %arg18[%dma_wait3A] : memref<100000xf32, #tpu.memory_space<vmem_shared>> -> memref<100000xf32, #tpu.memory_space<vmem_shared>>
        tpu.wait_indirect_dma semaphore(%arg39 : memref<!tpu.dma_semaphore, #tpu.memory_space<semaphore_mem>>) src(%dma_wait3A_45 : memref<100000xf32, #tpu.memory_space<vmem_shared>>) dst(%arg30 : memref<3200xf32, #tpu.memory_space<vmem>>)
        %dma_wait3A_46 = arith.constant 0 : i32
        %dma_wait3A_47 = tpu.memref_slice %arg19[%dma_wait3A_46] : memref<100000xf32, #tpu.memory_space<vmem_shared>> -> memref<100000xf32, #tpu.memory_space<vmem_shared>>
        tpu.wait_indirect_dma semaphore(%arg39 : memref<!tpu.dma_semaphore, #tpu.memory_space<semaphore_mem>>) src(%dma_wait3A_47 : memref<100000xf32, #tpu.memory_space<vmem_shared>>) dst(%arg31 : memref<3200xf32, #tpu.memory_space<vmem>>)
        %dma_wait3A_48 = arith.constant 0 : i32
        %dma_wait3A_49 = tpu.memref_slice %arg20[%dma_wait3A_48] : memref<100000xf32, #tpu.memory_space<vmem_shared>> -> memref<100000xf32, #tpu.memory_space<vmem_shared>>
        tpu.wait_indirect_dma semaphore(%arg39 : memref<!tpu.dma_semaphore, #tpu.memory_space<semaphore_mem>>) src(%dma_wait3A_49 : memref<100000xf32, #tpu.memory_space<vmem_shared>>) dst(%arg32 : memref<3200xf32, #tpu.memory_space<vmem>>)
        %dma_wait3A_50 = arith.constant 0 : i32
        %dma_wait3A_51 = tpu.memref_slice %arg18[%dma_wait3A_50] : memref<100000xf32, #tpu.memory_space<vmem_shared>> -> memref<100000xf32, #tpu.memory_space<vmem_shared>>
        tpu.wait_indirect_dma semaphore(%arg40 : memref<!tpu.dma_semaphore, #tpu.memory_space<semaphore_mem>>) src(%dma_wait3A_51 : memref<100000xf32, #tpu.memory_space<vmem_shared>>) dst(%arg33 : memref<3200xf32, #tpu.memory_space<vmem>>)
        %dma_wait3A_52 = arith.constant 0 : i32
        %dma_wait3A_53 = tpu.memref_slice %arg19[%dma_wait3A_52] : memref<100000xf32, #tpu.memory_space<vmem_shared>> -> memref<100000xf32, #tpu.memory_space<vmem_shared>>
        tpu.wait_indirect_dma semaphore(%arg40 : memref<!tpu.dma_semaphore, #tpu.memory_space<semaphore_mem>>) src(%dma_wait3A_53 : memref<100000xf32, #tpu.memory_space<vmem_shared>>) dst(%arg34 : memref<3200xf32, #tpu.memory_space<vmem>>)
        %dma_wait3A_54 = arith.constant 0 : i32
        %dma_wait3A_55 = tpu.memref_slice %arg20[%dma_wait3A_54] : memref<100000xf32, #tpu.memory_space<vmem_shared>> -> memref<100000xf32, #tpu.memory_space<vmem_shared>>
        tpu.wait_indirect_dma semaphore(%arg40 : memref<!tpu.dma_semaphore, #tpu.memory_space<semaphore_mem>>) src(%dma_wait3A_55 : memref<100000xf32, #tpu.memory_space<vmem_shared>>) dst(%arg35 : memref<3200xf32, #tpu.memory_space<vmem>>)
        %scan3A_56 = arith.constant 0 : i32
        %scan3A_57 = arith.constant 0 : i32
        %scan3A_58 = arith.constant 200 : i32
        %scan3A_59 = arith.addi %scan3A_57, %scan3A_58 : i32
        %scan3A_60 = arith.constant 1 : i32
        scf.for %scan3A_62 = %scan3A_57 to %scan3A_59 step %scan3A_60  : i32 {
          %mul3A_63 = arith.constant 16 : i32
          %mul3A_64 = arith.muli %scan3A_62, %mul3A_63 : i32
          %multiple_of3A_65 = tpu.assume_multiple %mul3A_64, 16 : i32
          %get3A = arith.index_cast %multiple_of3A_65 : i32 to index
          %get3A_66 = tpu.vector_load %arg30[%get3A] {strides = array<i32>} : memref<3200xf32, #tpu.memory_space<vmem>>, vector<16xf32>,
          %get3A_67 = vector.shape_cast %get3A_66 : vector<16xf32> to vector<16xf32>
          %get3A_68 = arith.index_cast %multiple_of3A_65 : i32 to index
          %get3A_69 = tpu.vector_load %arg26[%get3A_68] {strides = array<i32>} : memref<3200xf32, #tpu.memory_space<vmem>>, vector<16xf32>,
          %get3A_70 = vector.shape_cast %get3A_69 : vector<16xf32> to vector<16xf32>
          %add3A_71 = arith.addf %get3A_67, %get3A_70 : vector<16xf32>
          %get3A_72 = arith.index_cast %multiple_of3A_65 : i32 to index
          %get3A_73 = tpu.vector_load %arg33[%get3A_72] {strides = array<i32>} : memref<3200xf32, #tpu.memory_space<vmem>>, vector<16xf32>,
          %get3A_74 = vector.shape_cast %get3A_73 : vector<16xf32> to vector<16xf32>
          %sub3A = arith.subf %add3A_71, %get3A_74 : vector<16xf32>
          %get3A_75 = arith.index_cast %multiple_of3A_65 : i32 to index
          %get3A_76 = tpu.vector_load %arg31[%get3A_75] {strides = array<i32>} : memref<3200xf32, #tpu.memory_space<vmem>>, vector<16xf32>,
          %get3A_77 = vector.shape_cast %get3A_76 : vector<16xf32> to vector<16xf32>
          %get3A_78 = arith.index_cast %multiple_of3A_65 : i32 to index
          %get3A_79 = tpu.vector_load %arg27[%get3A_78] {strides = array<i32>} : memref<3200xf32, #tpu.memory_space<vmem>>, vector<16xf32>,
          %get3A_80 = vector.shape_cast %get3A_79 : vector<16xf32> to vector<16xf32>
          %add3A_81 = arith.addf %get3A_77, %get3A_80 : vector<16xf32>
          %get3A_82 = arith.index_cast %multiple_of3A_65 : i32 to index
          %get3A_83 = tpu.vector_load %arg34[%get3A_82] {strides = array<i32>} : memref<3200xf32, #tpu.memory_space<vmem>>, vector<16xf32>,
          %get3A_84 = vector.shape_cast %get3A_83 : vector<16xf32> to vector<16xf32>
          %sub3A_85 = arith.subf %add3A_81, %get3A_84 : vector<16xf32>
          %get3A_86 = arith.index_cast %multiple_of3A_65 : i32 to index
          %get3A_87 = tpu.vector_load %arg32[%get3A_86] {strides = array<i32>} : memref<3200xf32, #tpu.memory_space<vmem>>, vector<16xf32>,
          %get3A_88 = vector.shape_cast %get3A_87 : vector<16xf32> to vector<16xf32>
          %get3A_89 = arith.index_cast %multiple_of3A_65 : i32 to index
          %get3A_90 = tpu.vector_load %arg28[%get3A_89] {strides = array<i32>} : memref<3200xf32, #tpu.memory_space<vmem>>, vector<16xf32>,
          %get3A_91 = vector.shape_cast %get3A_90 : vector<16xf32> to vector<16xf32>
          %add3A_92 = arith.addf %get3A_88, %get3A_91 : vector<16xf32>
          %get3A_93 = arith.index_cast %multiple_of3A_65 : i32 to index
          %get3A_94 = tpu.vector_load %arg35[%get3A_93] {strides = array<i32>} : memref<3200xf32, #tpu.memory_space<vmem>>, vector<16xf32>,
          %get3A_95 = vector.shape_cast %get3A_94 : vector<16xf32> to vector<16xf32>
          %sub3A_96 = arith.subf %add3A_92, %get3A_95 : vector<16xf32>
          %mul3A_97 = arith.mulf %sub3A, %sub3A : vector<16xf32>
          %mul3A_98 = arith.mulf %sub3A_85, %sub3A_85 : vector<16xf32>
          %add3A_99 = arith.addf %mul3A_97, %mul3A_98 : vector<16xf32>
          %mul3A_100 = arith.mulf %sub3A_96, %sub3A_96 : vector<16xf32>
          %add3A_101 = arith.addf %add3A_99, %mul3A_100 : vector<16xf32>
          %get3A_102 = arith.index_cast %multiple_of3A_65 : i32 to index
          %get3A_103 = tpu.vector_load %arg29[%get3A_102] {strides = array<i32>} : memref<3200xf32, #tpu.memory_space<vmem>>, vector<16xf32>,
          %get3A_104 = vector.shape_cast %get3A_103 : vector<16xf32> to vector<16xf32>
          %bitcast_convert_type3A = tpu.bitcast %add3A_101 : vector<16xf32> -> vector<16xi32>
          %shift_right_arithmetic3A = arith.constant 1 : i32
          %shift_right_arithmetic3A_105 = vector.broadcast %shift_right_arithmetic3A : i32 to vector<16xi32>
          %shift_right_arithmetic3A_106 = arith.shrsi %bitcast_convert_type3A, %shift_right_arithmetic3A_105 : vector<16xi32>
          %sub3A_107 = arith.constant 1597463007 : i32
          %sub3A_108 = vector.broadcast %sub3A_107 : i32 to vector<16xi32>
          %sub3A_109 = arith.subi %sub3A_108, %shift_right_arithmetic3A_106 : vector<16xi32>
          %bitcast_convert_type3A_110 = tpu.bitcast %sub3A_109 : vector<16xi32> -> vector<16xf32>
          %mul3A_111 = arith.constant 5.000000e-01 : f32
          %mul3A_112 = vector.broadcast %mul3A_111 : f32 to vector<16xf32>
          %mul3A_113 = arith.mulf %mul3A_112, %add3A_101 : vector<16xf32>
          %mul3A_114 = arith.mulf %mul3A_113, %bitcast_convert_type3A_110 : vector<16xf32>
          %mul3A_115 = arith.mulf %mul3A_114, %bitcast_convert_type3A_110 : vector<16xf32>
          %sub3A_116 = arith.constant 1.500000e+00 : f32
          %sub3A_117 = vector.broadcast %sub3A_116 : f32 to vector<16xf32>
          %sub3A_118 = arith.subf %sub3A_117, %mul3A_115 : vector<16xf32>
          %mul3A_119 = arith.mulf %bitcast_convert_type3A_110, %sub3A_118 : vector<16xf32>
          %mul3A_120 = arith.constant 5.000000e-01 : f32
          %mul3A_121 = vector.broadcast %mul3A_120 : f32 to vector<16xf32>
          %mul3A_122 = arith.mulf %mul3A_121, %add3A_101 : vector<16xf32>
          %mul3A_123 = arith.mulf %mul3A_122, %mul3A_119 : vector<16xf32>
          %mul3A_124 = arith.mulf %mul3A_123, %mul3A_119 : vector<16xf32>
          %sub3A_125 = arith.constant 1.500000e+00 : f32
          %sub3A_126 = vector.broadcast %sub3A_125 : f32 to vector<16xf32>
          %sub3A_127 = arith.subf %sub3A_126, %mul3A_124 : vector<16xf32>
          %mul3A_128 = arith.mulf %mul3A_119, %sub3A_127 : vector<16xf32>
          %mul3A_129 = arith.constant 5.000000e-01 : f32
          %mul3A_130 = vector.broadcast %mul3A_129 : f32 to vector<16xf32>
          %mul3A_131 = arith.mulf %mul3A_130, %add3A_101 : vector<16xf32>
          %mul3A_132 = arith.mulf %mul3A_131, %mul3A_128 : vector<16xf32>
          %mul3A_133 = arith.mulf %mul3A_132, %mul3A_128 : vector<16xf32>
          %sub3A_134 = arith.constant 1.500000e+00 : f32
          %sub3A_135 = vector.broadcast %sub3A_134 : f32 to vector<16xf32>
          %sub3A_136 = arith.subf %sub3A_135, %mul3A_133 : vector<16xf32>
          %mul3A_137 = arith.mulf %mul3A_128, %sub3A_136 : vector<16xf32>
          %mul3A_138 = arith.mulf %get3A_104, %mul3A_137 : vector<16xf32>
          %mul3A_139 = arith.mulf %sub3A, %mul3A_138 : vector<16xf32>
          %swap3A = arith.index_cast %multiple_of3A_65 : i32 to index
          %swap3A_140 = tpu.vector_load %arg36[%swap3A] {strides = array<i32>} : memref<3200xf32, #tpu.memory_space<vmem>>, vector<16xf32>,
          %swap3A_141 = vector.shape_cast %swap3A_140 : vector<16xf32> to vector<16xf32>
          %swap3A_142 = vector.shape_cast %mul3A_139 : vector<16xf32> to vector<16xf32>
          tpu.vector_store %arg36[%swap3A], %swap3A_142 {strides = array<i32>} : memref<3200xf32, #tpu.memory_space<vmem>>, vector<16xf32>,
          %mul3A_143 = arith.mulf %sub3A_85, %mul3A_138 : vector<16xf32>
          %swap3A_144 = arith.index_cast %multiple_of3A_65 : i32 to index
          %swap3A_145 = tpu.vector_load %arg37[%swap3A_144] {strides = array<i32>} : memref<3200xf32, #tpu.memory_space<vmem>>, vector<16xf32>,
          %swap3A_146 = vector.shape_cast %swap3A_145 : vector<16xf32> to vector<16xf32>
          %swap3A_147 = vector.shape_cast %mul3A_143 : vector<16xf32> to vector<16xf32>
          tpu.vector_store %arg37[%swap3A_144], %swap3A_147 {strides = array<i32>} : memref<3200xf32, #tpu.memory_space<vmem>>, vector<16xf32>,
          %mul3A_148 = arith.mulf %sub3A_96, %mul3A_138 : vector<16xf32>
          %swap3A_149 = arith.index_cast %multiple_of3A_65 : i32 to index
          %swap3A_150 = tpu.vector_load %arg38[%swap3A_149] {strides = array<i32>} : memref<3200xf32, #tpu.memory_space<vmem>>, vector<16xf32>,
          %swap3A_151 = vector.shape_cast %swap3A_150 : vector<16xf32> to vector<16xf32>
          %swap3A_152 = vector.shape_cast %mul3A_148 : vector<16xf32> to vector<16xf32>
          tpu.vector_store %arg38[%swap3A_149], %swap3A_152 {strides = array<i32>} : memref<3200xf32, #tpu.memory_space<vmem>>, vector<16xf32>,
        }
        %scan3A_61 = arith.constant 200 : i32
        "tpu.region"() ({
          %run_scoped3A = tpu.sem_alloc : memref<!tpu.dma_semaphore, #tpu.memory_space<semaphore_mem>>
          %dma_start3A_62 = arith.constant 0 : i32
          %dma_start3A_63 = tpu.memref_slice %arg21[%dma_start3A_62] : memref<100000xf32, #tpu.memory_space<vmem_shared>> -> memref<100000xf32, #tpu.memory_space<vmem_shared>>
          tpu.enqueue_indirect_dma source(%arg36 : memref<3200xf32, #tpu.memory_space<vmem>>) target(%dma_start3A_63 : memref<100000xf32, #tpu.memory_space<vmem_shared>>) offsets(%arg24 : memref<3200xi32, #tpu.memory_space<vmem>>) semaphore(%run_scoped3A : memref<!tpu.dma_semaphore, #tpu.memory_space<semaphore_mem>>) {add = true}
          %dma_wait3A_64 = arith.constant 0 : i32
          %dma_wait3A_65 = tpu.memref_slice %arg21[%dma_wait3A_64] : memref<100000xf32, #tpu.memory_space<vmem_shared>> -> memref<100000xf32, #tpu.memory_space<vmem_shared>>
          tpu.wait_indirect_dma semaphore(%run_scoped3A : memref<!tpu.dma_semaphore, #tpu.memory_space<semaphore_mem>>) src(%arg36 : memref<3200xf32, #tpu.memory_space<vmem>>) dst(%dma_wait3A_65 : memref<100000xf32, #tpu.memory_space<vmem_shared>>)
          tpu.yield
        }) : () -> ()
        "tpu.region"() ({
          %run_scoped3A = tpu.sem_alloc : memref<!tpu.dma_semaphore, #tpu.memory_space<semaphore_mem>>
          %dma_start3A_62 = arith.constant 0 : i32
          %dma_start3A_63 = tpu.memref_slice %arg22[%dma_start3A_62] : memref<100000xf32, #tpu.memory_space<vmem_shared>> -> memref<100000xf32, #tpu.memory_space<vmem_shared>>
          tpu.enqueue_indirect_dma source(%arg37 : memref<3200xf32, #tpu.memory_space<vmem>>) target(%dma_start3A_63 : memref<100000xf32, #tpu.memory_space<vmem_shared>>) offsets(%arg24 : memref<3200xi32, #tpu.memory_space<vmem>>) semaphore(%run_scoped3A : memref<!tpu.dma_semaphore, #tpu.memory_space<semaphore_mem>>) {add = true}
          %dma_wait3A_64 = arith.constant 0 : i32
          %dma_wait3A_65 = tpu.memref_slice %arg22[%dma_wait3A_64] : memref<100000xf32, #tpu.memory_space<vmem_shared>> -> memref<100000xf32, #tpu.memory_space<vmem_shared>>
          tpu.wait_indirect_dma semaphore(%run_scoped3A : memref<!tpu.dma_semaphore, #tpu.memory_space<semaphore_mem>>) src(%arg37 : memref<3200xf32, #tpu.memory_space<vmem>>) dst(%dma_wait3A_65 : memref<100000xf32, #tpu.memory_space<vmem_shared>>)
          tpu.yield
        }) : () -> ()
        "tpu.region"() ({
          %run_scoped3A = tpu.sem_alloc : memref<!tpu.dma_semaphore, #tpu.memory_space<semaphore_mem>>
          %dma_start3A_62 = arith.constant 0 : i32
          %dma_start3A_63 = tpu.memref_slice %arg23[%dma_start3A_62] : memref<100000xf32, #tpu.memory_space<vmem_shared>> -> memref<100000xf32, #tpu.memory_space<vmem_shared>>
          tpu.enqueue_indirect_dma source(%arg38 : memref<3200xf32, #tpu.memory_space<vmem>>) target(%dma_start3A_63 : memref<100000xf32, #tpu.memory_space<vmem_shared>>) offsets(%arg24 : memref<3200xi32, #tpu.memory_space<vmem>>) semaphore(%run_scoped3A : memref<!tpu.dma_semaphore, #tpu.memory_space<semaphore_mem>>) {add = true}
          %dma_wait3A_64 = arith.constant 0 : i32
          %dma_wait3A_65 = tpu.memref_slice %arg23[%dma_wait3A_64] : memref<100000xf32, #tpu.memory_space<vmem_shared>> -> memref<100000xf32, #tpu.memory_space<vmem_shared>>
          tpu.wait_indirect_dma semaphore(%run_scoped3A : memref<!tpu.dma_semaphore, #tpu.memory_space<semaphore_mem>>) src(%arg38 : memref<3200xf32, #tpu.memory_space<vmem>>) dst(%dma_wait3A_65 : memref<100000xf32, #tpu.memory_space<vmem_shared>>)
          tpu.yield
        }) : () -> ()
      } else {
      }
    }
    %scan3A_7 = arith.constant 32 : i32
    %barrier3A_8 = arith.constant 0 : index
    tpu.barrier barrier_id(%barrier3A_8)
    %eq3A_9 = arith.constant 0 : i32
    %eq3A_10 = arith.cmpi eq, %arg1, %eq3A_9 : i32
    %eq3A_11 = arith.constant 0 : i32
    %eq3A_12 = arith.cmpi eq, %arg0, %eq3A_11 : i32
    %and3A = arith.andi %eq3A_10, %eq3A_12 : i1
    %convert_element_type3A_13 = arith.extui %and3A : i1 to i32
    %cond3A_14 = arith.constant 0 : i32
    %cond3A_15 = arith.cmpi ne, %convert_element_type3A_13, %cond3A_14 : i32
    scf.if %cond3A_15 {
      "tpu.region"() ({
        %run_scoped3A = tpu.sem_alloc : memref<!tpu.dma_semaphore, #tpu.memory_space<semaphore_mem>>
        tpu.enqueue_dma source(%arg21 : memref<100000xf32, #tpu.memory_space<vmem_shared>>) target(%arg12 : memref<100000xf32, #tpu.memory_space<hbm>>) target_semaphore(%run_scoped3A : memref<!tpu.dma_semaphore, #tpu.memory_space<semaphore_mem>>)
        tpu.wait_dma2 semaphore(%run_scoped3A : memref<!tpu.dma_semaphore, #tpu.memory_space<semaphore_mem>>) src(%arg21 : memref<100000xf32, #tpu.memory_space<vmem_shared>>) dst(%arg12 : memref<100000xf32, #tpu.memory_space<hbm>>)
        tpu.yield
      }) : () -> ()
      "tpu.region"() ({
        %run_scoped3A = tpu.sem_alloc : memref<!tpu.dma_semaphore, #tpu.memory_space<semaphore_mem>>
        tpu.enqueue_dma source(%arg22 : memref<100000xf32, #tpu.memory_space<vmem_shared>>) target(%arg13 : memref<100000xf32, #tpu.memory_space<hbm>>) target_semaphore(%run_scoped3A : memref<!tpu.dma_semaphore, #tpu.memory_space<semaphore_mem>>)
        tpu.wait_dma2 semaphore(%run_scoped3A : memref<!tpu.dma_semaphore, #tpu.memory_space<semaphore_mem>>) src(%arg22 : memref<100000xf32, #tpu.memory_space<vmem_shared>>) dst(%arg13 : memref<100000xf32, #tpu.memory_space<hbm>>)
        tpu.yield
      }) : () -> ()
      "tpu.region"() ({
        %run_scoped3A = tpu.sem_alloc : memref<!tpu.dma_semaphore, #tpu.memory_space<semaphore_mem>>
        tpu.enqueue_dma source(%arg23 : memref<100000xf32, #tpu.memory_space<vmem_shared>>) target(%arg14 : memref<100000xf32, #tpu.memory_space<hbm>>) target_semaphore(%run_scoped3A : memref<!tpu.dma_semaphore, #tpu.memory_space<semaphore_mem>>)
        tpu.wait_dma2 semaphore(%run_scoped3A : memref<!tpu.dma_semaphore, #tpu.memory_space<semaphore_mem>>) src(%arg23 : memref<100000xf32, #tpu.memory_space<vmem_shared>>) dst(%arg14 : memref<100000xf32, #tpu.memory_space<hbm>>)
        tpu.yield
      }) : () -> ()
    } else {
    }
    %eq3A_16 = arith.constant 0 : i32
    %eq3A_17 = arith.cmpi eq, %arg1, %eq3A_16 : i32
    %eq3A_18 = arith.constant 1 : i32
    %eq3A_19 = arith.cmpi eq, %arg0, %eq3A_18 : i32
    %and3A_20 = arith.andi %eq3A_17, %eq3A_19 : i1
    %convert_element_type3A_21 = arith.extui %and3A_20 : i1 to i32
    %cond3A_22 = arith.constant 0 : i32
    %cond3A_23 = arith.cmpi ne, %convert_element_type3A_21, %cond3A_22 : i32
    scf.if %cond3A_23 {
      "tpu.region"() ({
        %run_scoped3A = tpu.sem_alloc : memref<!tpu.dma_semaphore, #tpu.memory_space<semaphore_mem>>
        tpu.enqueue_dma source(%arg21 : memref<100000xf32, #tpu.memory_space<vmem_shared>>) target(%arg15 : memref<100000xf32, #tpu.memory_space<hbm>>) target_semaphore(%run_scoped3A : memref<!tpu.dma_semaphore, #tpu.memory_space<semaphore_mem>>)
        tpu.wait_dma2 semaphore(%run_scoped3A : memref<!tpu.dma_semaphore, #tpu.memory_space<semaphore_mem>>) src(%arg21 : memref<100000xf32, #tpu.memory_space<vmem_shared>>) dst(%arg15 : memref<100000xf32, #tpu.memory_space<hbm>>)
        tpu.yield
      }) : () -> ()
      "tpu.region"() ({
        %run_scoped3A = tpu.sem_alloc : memref<!tpu.dma_semaphore, #tpu.memory_space<semaphore_mem>>
        tpu.enqueue_dma source(%arg22 : memref<100000xf32, #tpu.memory_space<vmem_shared>>) target(%arg16 : memref<100000xf32, #tpu.memory_space<hbm>>) target_semaphore(%run_scoped3A : memref<!tpu.dma_semaphore, #tpu.memory_space<semaphore_mem>>)
        tpu.wait_dma2 semaphore(%run_scoped3A : memref<!tpu.dma_semaphore, #tpu.memory_space<semaphore_mem>>) src(%arg22 : memref<100000xf32, #tpu.memory_space<vmem_shared>>) dst(%arg16 : memref<100000xf32, #tpu.memory_space<hbm>>)
        tpu.yield
      }) : () -> ()
      "tpu.region"() ({
        %run_scoped3A = tpu.sem_alloc : memref<!tpu.dma_semaphore, #tpu.memory_space<semaphore_mem>>
        tpu.enqueue_dma source(%arg23 : memref<100000xf32, #tpu.memory_space<vmem_shared>>) target(%arg17 : memref<100000xf32, #tpu.memory_space<hbm>>) target_semaphore(%run_scoped3A : memref<!tpu.dma_semaphore, #tpu.memory_space<semaphore_mem>>)
        tpu.wait_dma2 semaphore(%run_scoped3A : memref<!tpu.dma_semaphore, #tpu.memory_space<semaphore_mem>>) src(%arg23 : memref<100000xf32, #tpu.memory_space<vmem_shared>>) dst(%arg17 : memref<100000xf32, #tpu.memory_space<hbm>>)
        tpu.yield
      }) : () -> ()
    } else {
    }
    return
  }
}

module attributes {stable_mosaic.version = 14 : i64} {
  func.func @body(%arg0: i32, %arg1: memref<16000x128xf32, #tpu.memory_space<vmem>>, %arg2: memref<128x128xf32, #tpu.memory_space<vmem>>, %arg3: memref<1x128xf32, #tpu.memory_space<vmem>>, %arg4: memref<1x128xf32, #tpu.memory_space<vmem>>) attributes {dimension_semantics = [#tpu.dimension_semantics<arbitrary>], iteration_bounds = array<i64: 25>, scalar_prefetch = 0 : i64, scratch_operands = 0 : i64, tpu.core_type = #tpu.core_type<tc>, window_params = [{transform_indices = @transform_0, window_bounds = array<i64: 16000, 128>}, {pipeline_mode = #tpu.pipeline_mode<synchronous>, transform_indices = @transform_1, window_bounds = array<i64: 128, 128>}, {pipeline_mode = #tpu.pipeline_mode<synchronous>, transform_indices = @transform_2, window_bounds = array<i64: 1, 128>}, {pipeline_mode = #tpu.pipeline_mode<synchronous>, transform_indices = @transform_3, window_bounds = array<i64: 1, 128>}]} {
    %get3A = arith.constant 0 : index
    %get3A_0 = arith.constant 0 : index
    %get3A_1 = vector.load %arg1[%get3A, %get3A_0] : memref<16000x128xf32, #tpu.memory_space<vmem>>, vector<16000x128xf32>
    %get3A_2 = arith.constant 0 : index
    %get3A_3 = arith.constant 0 : index
    %get3A_4 = vector.load %arg2[%get3A_2, %get3A_3] : memref<128x128xf32, #tpu.memory_space<vmem>>, vector<128x128xf32>
    %dot_general3A = arith.constant dense<0.000000e+00> : vector<16000x128xf32>
    %dot_general3A_5 = tpu.matmul %get3A_1, %get3A_4, %dot_general3A {dimension_numbers = #tpu.dot_dimension_numbers<[1], [0], [0], [1], [0, 0, 1, 1], [], []>, transpose_lhs_hint = false} : vector<16000x128xf32>, vector<128x128xf32>, vector<16000x128xf32> -> vector<16000x128xf32>
    %eq3A = arith.constant 0 : i32
    %eq3A_6 = arith.cmpi eq, %arg0, %eq3A : i32
    %convert_element_type3A = arith.extui %eq3A_6 : i1 to i32
    %cond3A = arith.constant 0 : i32
    %cond3A_7 = arith.cmpi ne, %convert_element_type3A, %cond3A : i32
    scf.if %cond3A_7 {
      %broadcast_in_dim3A_24 = arith.constant 0.000000e+00 : f32
      %broadcast_in_dim3A_25 = vector.broadcast %broadcast_in_dim3A_24 : f32 to vector<1x128xf32>
      %swap3A_26 = arith.constant 0 : index
      %swap3A_27 = arith.constant 0 : index
      %swap3A_28 = vector.load %arg3[%swap3A_26, %swap3A_27] : memref<1x128xf32, #tpu.memory_space<vmem>>, vector<1x128xf32>
      tpu.vector_store %arg3[%swap3A_26, %swap3A_27], %broadcast_in_dim3A_25 {strides = array<i32>} : memref<1x128xf32, #tpu.memory_space<vmem>>, vector<1x128xf32>,
      %broadcast_in_dim3A_29 = arith.constant 0.000000e+00 : f32
      %broadcast_in_dim3A_30 = vector.broadcast %broadcast_in_dim3A_29 : f32 to vector<1x128xf32>
      %swap3A_31 = arith.constant 0 : index
      %swap3A_32 = arith.constant 0 : index
      %swap3A_33 = vector.load %arg4[%swap3A_31, %swap3A_32] : memref<1x128xf32, #tpu.memory_space<vmem>>, vector<1x128xf32>
      tpu.vector_store %arg4[%swap3A_31, %swap3A_32], %broadcast_in_dim3A_30 {strides = array<i32>} : memref<1x128xf32, #tpu.memory_space<vmem>>, vector<1x128xf32>,
    } else {
    }
    %get3A_8 = arith.constant 0 : index
    %get3A_9 = arith.constant 0 : index
    %get3A_10 = vector.load %arg3[%get3A_8, %get3A_9] : memref<1x128xf32, #tpu.memory_space<vmem>>, vector<1x128xf32>
    %reduce_sum3A = arith.constant dense<0.000000e+00> : vector<128xf32>
    %reduce_sum3A_11 = vector.multi_reduction <add>, %dot_general3A_5, %reduce_sum3A [0] : vector<16000x128xf32> to vector<128xf32>
    %broadcast_in_dim3A = vector.shape_cast %reduce_sum3A_11 : vector<128xf32> to vector<1x128xf32>
    %add3A = arith.addf %get3A_10, %broadcast_in_dim3A : vector<1x128xf32>
    %swap3A = arith.constant 0 : index
    %swap3A_12 = arith.constant 0 : index
    %swap3A_13 = vector.load %arg3[%swap3A, %swap3A_12] : memref<1x128xf32, #tpu.memory_space<vmem>>, vector<1x128xf32>
    tpu.vector_store %arg3[%swap3A, %swap3A_12], %add3A {strides = array<i32>} : memref<1x128xf32, #tpu.memory_space<vmem>>, vector<1x128xf32>,
    %get3A_14 = arith.constant 0 : index
    %get3A_15 = arith.constant 0 : index
    %get3A_16 = vector.load %arg4[%get3A_14, %get3A_15] : memref<1x128xf32, #tpu.memory_space<vmem>>, vector<1x128xf32>
    %mul3A = arith.mulf %dot_general3A_5, %dot_general3A_5 : vector<16000x128xf32>
    %reduce_sum3A_17 = arith.constant dense<0.000000e+00> : vector<128xf32>
    %reduce_sum3A_18 = vector.multi_reduction <add>, %mul3A, %reduce_sum3A_17 [0] : vector<16000x128xf32> to vector<128xf32>
    %broadcast_in_dim3A_19 = vector.shape_cast %reduce_sum3A_18 : vector<128xf32> to vector<1x128xf32>
    %add3A_20 = arith.addf %get3A_16, %broadcast_in_dim3A_19 : vector<1x128xf32>
    %swap3A_21 = arith.constant 0 : index
    %swap3A_22 = arith.constant 0 : index
    %swap3A_23 = vector.load %arg4[%swap3A_21, %swap3A_22] : memref<1x128xf32, #tpu.memory_space<vmem>>, vector<1x128xf32>
    tpu.vector_store %arg4[%swap3A_21, %swap3A_22], %add3A_20 {strides = array<i32>} : memref<1x128xf32, #tpu.memory_space<vmem>>, vector<1x128xf32>,
    return
  }
  func.func @transform_0(%arg0: i32) -> (i32, i32) {
    %c0_i32 = arith.constant 0 : i32
    %c0_i32_0 = arith.constant 0 : i32
    return %arg0, %c0_i32 : i32, i32
  }
  func.func @transform_1(%arg0: i32) -> (i32, i32) {
    %c0_i32 = arith.constant 0 : i32
    %c0_i32_0 = arith.constant 0 : i32
    %c0_i32_1 = arith.constant 0 : i32
    return %c0_i32, %c0_i32_0 : i32, i32
  }
  func.func @transform_2(%arg0: i32) -> (i32, i32) {
    %c0_i32 = arith.constant 0 : i32
    %c0_i32_0 = arith.constant 0 : i32
    %c0_i32_1 = arith.constant 0 : i32
    return %c0_i32, %c0_i32_0 : i32, i32
  }
  func.func @transform_3(%arg0: i32) -> (i32, i32) {
    %c0_i32 = arith.constant 0 : i32
    %c0_i32_0 = arith.constant 0 : i32
    %c0_i32_1 = arith.constant 0 : i32
    return %c0_i32, %c0_i32_0 : i32, i32
  }
}

module attributes {stable_mosaic.version = 14 : i64} {
  func.func @body(%arg0: i32, %arg1: memref<16000x128xf32, #tpu.memory_space<vmem>>, %arg2: memref<128x128xf32, #tpu.memory_space<vmem>>, %arg3: memref<1x128xf32, #tpu.memory_space<vmem>>, %arg4: memref<1x128xf32, #tpu.memory_space<vmem>>, %arg5: memref<128x128xf32, #tpu.memory_space<vmem>>, %arg6: memref<1x128xf32, #tpu.memory_space<vmem>>, %arg7: memref<1x128xf32, #tpu.memory_space<vmem>>) attributes {dimension_semantics = [#tpu.dimension_semantics<arbitrary>], iteration_bounds = array<i64: 25>, scalar_prefetch = 0 : i64, scratch_operands = 0 : i64, tpu.core_type = #tpu.core_type<tc>, window_params = [{transform_indices = @transform_0, window_bounds = array<i64: 16000, 128>}, {pipeline_mode = #tpu.pipeline_mode<synchronous>, transform_indices = @transform_1, window_bounds = array<i64: 128, 128>}, {pipeline_mode = #tpu.pipeline_mode<synchronous>, transform_indices = @transform_2, window_bounds = array<i64: 1, 128>}, {pipeline_mode = #tpu.pipeline_mode<synchronous>, transform_indices = @transform_3, window_bounds = array<i64: 1, 128>}, {pipeline_mode = #tpu.pipeline_mode<synchronous>, transform_indices = @transform_4, window_bounds = array<i64: 128, 128>}, {pipeline_mode = #tpu.pipeline_mode<synchronous>, transform_indices = @transform_5, window_bounds = array<i64: 1, 128>}, {pipeline_mode = #tpu.pipeline_mode<synchronous>, transform_indices = @transform_6, window_bounds = array<i64: 1, 128>}]} {
    %get3A = arith.constant 0 : index
    %get3A_0 = arith.constant 0 : index
    %get3A_1 = vector.load %arg1[%get3A, %get3A_0] : memref<16000x128xf32, #tpu.memory_space<vmem>>, vector<16000x128xf32>
    %get3A_2 = arith.constant 0 : index
    %get3A_3 = arith.constant 0 : index
    %get3A_4 = vector.load %arg2[%get3A_2, %get3A_3] : memref<128x128xf32, #tpu.memory_space<vmem>>, vector<128x128xf32>
    %get3A_5 = arith.constant 0 : index
    %get3A_6 = arith.constant 0 : index
    %get3A_7 = vector.load %arg3[%get3A_5, %get3A_6] : memref<1x128xf32, #tpu.memory_space<vmem>>, vector<1x128xf32>
    %get3A_8 = arith.constant 0 : index
    %get3A_9 = arith.constant 0 : index
    %get3A_10 = vector.load %arg4[%get3A_8, %get3A_9] : memref<1x128xf32, #tpu.memory_space<vmem>>, vector<1x128xf32>
    %dot_general3A = arith.constant dense<0.000000e+00> : vector<16000x128xf32>
    %dot_general3A_11 = tpu.matmul %get3A_1, %get3A_4, %dot_general3A {dimension_numbers = #tpu.dot_dimension_numbers<[1], [0], [0], [1], [0, 0, 1, 1], [], []>, transpose_lhs_hint = false} : vector<16000x128xf32>, vector<128x128xf32>, vector<16000x128xf32> -> vector<16000x128xf32>
    %mul3A = vector.broadcast %get3A_7 : vector<1x128xf32> to vector<16000x128xf32>
    %mul3A_12 = arith.mulf %dot_general3A_11, %mul3A : vector<16000x128xf32>
    %add3A = vector.broadcast %get3A_10 : vector<1x128xf32> to vector<16000x128xf32>
    %add3A_13 = arith.addf %mul3A_12, %add3A : vector<16000x128xf32>
    %max3A = arith.constant 0.000000e+00 : f32
    %max3A_14 = vector.broadcast %max3A : f32 to vector<16000x128xf32>
    %max3A_15 = arith.maximumf %add3A_13, %max3A_14 : vector<16000x128xf32>
    %abs3A = math.absf %add3A_13 : vector<16000x128xf32>
    %mul3A_16 = arith.constant -1.44269502 : f32
    %mul3A_17 = vector.broadcast %mul3A_16 : f32 to vector<16000x128xf32>
    %mul3A_18 = arith.mulf %abs3A, %mul3A_17 : vector<16000x128xf32>
    %exp23A = math.exp2 %mul3A_18 : vector<16000x128xf32>
    %add3A_19 = arith.constant 1.000000e+00 : f32
    %add3A_20 = vector.broadcast %add3A_19 : f32 to vector<16000x128xf32>
    %add3A_21 = arith.addf %add3A_20, %exp23A : vector<16000x128xf32>
    %log3A = math.log %add3A_21 : vector<16000x128xf32>
    %log3A_22 = arith.constant 2.000000e+00 : f32
    %log3A_23 = math.log %log3A_22 : f32
    %div3A = vector.broadcast %log3A_23 : f32 to vector<16000x128xf32>
    %div3A_24 = arith.divf %log3A, %div3A : vector<16000x128xf32>
    %mul3A_25 = arith.constant 0.693147182 : f32
    %mul3A_26 = vector.broadcast %mul3A_25 : f32 to vector<16000x128xf32>
    %mul3A_27 = arith.mulf %mul3A_26, %div3A_24 : vector<16000x128xf32>
    %add3A_28 = arith.addf %max3A_15, %mul3A_27 : vector<16000x128xf32>
    %get3A_29 = arith.constant 0 : index
    %get3A_30 = arith.constant 0 : index
    %get3A_31 = vector.load %arg5[%get3A_29, %get3A_30] : memref<128x128xf32, #tpu.memory_space<vmem>>, vector<128x128xf32>
    %dot_general3A_32 = arith.constant dense<0.000000e+00> : vector<16000x128xf32>
    %dot_general3A_33 = tpu.matmul %add3A_28, %get3A_31, %dot_general3A_32 {dimension_numbers = #tpu.dot_dimension_numbers<[1], [0], [0], [1], [0, 0, 1, 1], [], []>, transpose_lhs_hint = false} : vector<16000x128xf32>, vector<128x128xf32>, vector<16000x128xf32> -> vector<16000x128xf32>
    %eq3A = arith.constant 0 : i32
    %eq3A_34 = arith.cmpi eq, %arg0, %eq3A : i32
    %convert_element_type3A = arith.extui %eq3A_34 : i1 to i32
    %cond3A = arith.constant 0 : i32
    %cond3A_35 = arith.cmpi ne, %convert_element_type3A, %cond3A : i32
    scf.if %cond3A_35 {
      %broadcast_in_dim3A_54 = arith.constant 0.000000e+00 : f32
      %broadcast_in_dim3A_55 = vector.broadcast %broadcast_in_dim3A_54 : f32 to vector<1x128xf32>
      %swap3A_56 = arith.constant 0 : index
      %swap3A_57 = arith.constant 0 : index
      %swap3A_58 = vector.load %arg6[%swap3A_56, %swap3A_57] : memref<1x128xf32, #tpu.memory_space<vmem>>, vector<1x128xf32>
      tpu.vector_store %arg6[%swap3A_56, %swap3A_57], %broadcast_in_dim3A_55 {strides = array<i32>} : memref<1x128xf32, #tpu.memory_space<vmem>>, vector<1x128xf32>,
      %broadcast_in_dim3A_59 = arith.constant 0.000000e+00 : f32
      %broadcast_in_dim3A_60 = vector.broadcast %broadcast_in_dim3A_59 : f32 to vector<1x128xf32>
      %swap3A_61 = arith.constant 0 : index
      %swap3A_62 = arith.constant 0 : index
      %swap3A_63 = vector.load %arg7[%swap3A_61, %swap3A_62] : memref<1x128xf32, #tpu.memory_space<vmem>>, vector<1x128xf32>
      tpu.vector_store %arg7[%swap3A_61, %swap3A_62], %broadcast_in_dim3A_60 {strides = array<i32>} : memref<1x128xf32, #tpu.memory_space<vmem>>, vector<1x128xf32>,
    } else {
    }
    %get3A_36 = arith.constant 0 : index
    %get3A_37 = arith.constant 0 : index
    %get3A_38 = vector.load %arg6[%get3A_36, %get3A_37] : memref<1x128xf32, #tpu.memory_space<vmem>>, vector<1x128xf32>
    %reduce_sum3A = arith.constant dense<0.000000e+00> : vector<128xf32>
    %reduce_sum3A_39 = vector.multi_reduction <add>, %dot_general3A_33, %reduce_sum3A [0] : vector<16000x128xf32> to vector<128xf32>
    %broadcast_in_dim3A = vector.shape_cast %reduce_sum3A_39 : vector<128xf32> to vector<1x128xf32>
    %add3A_40 = arith.addf %get3A_38, %broadcast_in_dim3A : vector<1x128xf32>
    %swap3A = arith.constant 0 : index
    %swap3A_41 = arith.constant 0 : index
    %swap3A_42 = vector.load %arg6[%swap3A, %swap3A_41] : memref<1x128xf32, #tpu.memory_space<vmem>>, vector<1x128xf32>
    tpu.vector_store %arg6[%swap3A, %swap3A_41], %add3A_40 {strides = array<i32>} : memref<1x128xf32, #tpu.memory_space<vmem>>, vector<1x128xf32>,
    %get3A_43 = arith.constant 0 : index
    %get3A_44 = arith.constant 0 : index
    %get3A_45 = vector.load %arg7[%get3A_43, %get3A_44] : memref<1x128xf32, #tpu.memory_space<vmem>>, vector<1x128xf32>
    %mul3A_46 = arith.mulf %dot_general3A_33, %dot_general3A_33 : vector<16000x128xf32>
    %reduce_sum3A_47 = arith.constant dense<0.000000e+00> : vector<128xf32>
    %reduce_sum3A_48 = vector.multi_reduction <add>, %mul3A_46, %reduce_sum3A_47 [0] : vector<16000x128xf32> to vector<128xf32>
    %broadcast_in_dim3A_49 = vector.shape_cast %reduce_sum3A_48 : vector<128xf32> to vector<1x128xf32>
    %add3A_50 = arith.addf %get3A_45, %broadcast_in_dim3A_49 : vector<1x128xf32>
    %swap3A_51 = arith.constant 0 : index
    %swap3A_52 = arith.constant 0 : index
    %swap3A_53 = vector.load %arg7[%swap3A_51, %swap3A_52] : memref<1x128xf32, #tpu.memory_space<vmem>>, vector<1x128xf32>
    tpu.vector_store %arg7[%swap3A_51, %swap3A_52], %add3A_50 {strides = array<i32>} : memref<1x128xf32, #tpu.memory_space<vmem>>, vector<1x128xf32>,
    return
  }
  func.func @transform_0(%arg0: i32) -> (i32, i32) {
    %c0_i32 = arith.constant 0 : i32
    %c0_i32_0 = arith.constant 0 : i32
    return %arg0, %c0_i32 : i32, i32
  }
  func.func @transform_1(%arg0: i32) -> (i32, i32) {
    %c0_i32 = arith.constant 0 : i32
    %c0_i32_0 = arith.constant 0 : i32
    %c0_i32_1 = arith.constant 0 : i32
    return %c0_i32, %c0_i32_0 : i32, i32
  }
  func.func @transform_2(%arg0: i32) -> (i32, i32) {
    %c0_i32 = arith.constant 0 : i32
    %c0_i32_0 = arith.constant 0 : i32
    %c0_i32_1 = arith.constant 0 : i32
    return %c0_i32, %c0_i32_0 : i32, i32
  }
  func.func @transform_3(%arg0: i32) -> (i32, i32) {
    %c0_i32 = arith.constant 0 : i32
    %c0_i32_0 = arith.constant 0 : i32
    %c0_i32_1 = arith.constant 0 : i32
    return %c0_i32, %c0_i32_0 : i32, i32
  }
  func.func @transform_4(%arg0: i32) -> (i32, i32) {
    %c0_i32 = arith.constant 0 : i32
    %c0_i32_0 = arith.constant 0 : i32
    %c0_i32_1 = arith.constant 0 : i32
    return %c0_i32, %c0_i32_0 : i32, i32
  }
  func.func @transform_5(%arg0: i32) -> (i32, i32) {
    %c0_i32 = arith.constant 0 : i32
    %c0_i32_0 = arith.constant 0 : i32
    %c0_i32_1 = arith.constant 0 : i32
    return %c0_i32, %c0_i32_0 : i32, i32
  }
  func.func @transform_6(%arg0: i32) -> (i32, i32) {
    %c0_i32 = arith.constant 0 : i32
    %c0_i32_0 = arith.constant 0 : i32
    %c0_i32_1 = arith.constant 0 : i32
    return %c0_i32, %c0_i32_0 : i32, i32
  }
}

module attributes {stable_mosaic.version = 14 : i64} {
  func.func @body(%arg0: i32, %arg1: memref<16000x128xf32, #tpu.memory_space<vmem>>, %arg2: memref<128x128xf32, #tpu.memory_space<vmem>>, %arg3: memref<1x128xf32, #tpu.memory_space<vmem>>, %arg4: memref<1x128xf32, #tpu.memory_space<vmem>>, %arg5: memref<128x128xf32, #tpu.memory_space<vmem>>, %arg6: memref<1x128xf32, #tpu.memory_space<vmem>>, %arg7: memref<1x128xf32, #tpu.memory_space<vmem>>, %arg8: memref<128x128xf32, #tpu.memory_space<vmem>>, %arg9: memref<1x128xf32, #tpu.memory_space<vmem>>, %arg10: memref<1x128xf32, #tpu.memory_space<vmem>>) attributes {dimension_semantics = [#tpu.dimension_semantics<arbitrary>], iteration_bounds = array<i64: 25>, scalar_prefetch = 0 : i64, scratch_operands = 0 : i64, tpu.core_type = #tpu.core_type<tc>, window_params = [{transform_indices = @transform_0, window_bounds = array<i64: 16000, 128>}, {pipeline_mode = #tpu.pipeline_mode<synchronous>, transform_indices = @transform_1, window_bounds = array<i64: 128, 128>}, {pipeline_mode = #tpu.pipeline_mode<synchronous>, transform_indices = @transform_2, window_bounds = array<i64: 1, 128>}, {pipeline_mode = #tpu.pipeline_mode<synchronous>, transform_indices = @transform_3, window_bounds = array<i64: 1, 128>}, {pipeline_mode = #tpu.pipeline_mode<synchronous>, transform_indices = @transform_4, window_bounds = array<i64: 128, 128>}, {pipeline_mode = #tpu.pipeline_mode<synchronous>, transform_indices = @transform_5, window_bounds = array<i64: 1, 128>}, {pipeline_mode = #tpu.pipeline_mode<synchronous>, transform_indices = @transform_6, window_bounds = array<i64: 1, 128>}, {pipeline_mode = #tpu.pipeline_mode<synchronous>, transform_indices = @transform_7, window_bounds = array<i64: 128, 128>}, {pipeline_mode = #tpu.pipeline_mode<synchronous>, transform_indices = @transform_8, window_bounds = array<i64: 1, 128>}, {pipeline_mode = #tpu.pipeline_mode<synchronous>, transform_indices = @transform_9, window_bounds = array<i64: 1, 128>}]} {
    %get3A = arith.constant 0 : index
    %get3A_0 = arith.constant 0 : index
    %get3A_1 = vector.load %arg1[%get3A, %get3A_0] : memref<16000x128xf32, #tpu.memory_space<vmem>>, vector<16000x128xf32>
    %get3A_2 = arith.constant 0 : index
    %get3A_3 = arith.constant 0 : index
    %get3A_4 = vector.load %arg2[%get3A_2, %get3A_3] : memref<128x128xf32, #tpu.memory_space<vmem>>, vector<128x128xf32>
    %get3A_5 = arith.constant 0 : index
    %get3A_6 = arith.constant 0 : index
    %get3A_7 = vector.load %arg3[%get3A_5, %get3A_6] : memref<1x128xf32, #tpu.memory_space<vmem>>, vector<1x128xf32>
    %get3A_8 = arith.constant 0 : index
    %get3A_9 = arith.constant 0 : index
    %get3A_10 = vector.load %arg4[%get3A_8, %get3A_9] : memref<1x128xf32, #tpu.memory_space<vmem>>, vector<1x128xf32>
    %dot_general3A = arith.constant dense<0.000000e+00> : vector<16000x128xf32>
    %dot_general3A_11 = tpu.matmul %get3A_1, %get3A_4, %dot_general3A {dimension_numbers = #tpu.dot_dimension_numbers<[1], [0], [0], [1], [0, 0, 1, 1], [], []>, transpose_lhs_hint = false} : vector<16000x128xf32>, vector<128x128xf32>, vector<16000x128xf32> -> vector<16000x128xf32>
    %mul3A = vector.broadcast %get3A_7 : vector<1x128xf32> to vector<16000x128xf32>
    %mul3A_12 = arith.mulf %dot_general3A_11, %mul3A : vector<16000x128xf32>
    %add3A = vector.broadcast %get3A_10 : vector<1x128xf32> to vector<16000x128xf32>
    %add3A_13 = arith.addf %mul3A_12, %add3A : vector<16000x128xf32>
    %max3A = arith.constant 0.000000e+00 : f32
    %max3A_14 = vector.broadcast %max3A : f32 to vector<16000x128xf32>
    %max3A_15 = arith.maximumf %add3A_13, %max3A_14 : vector<16000x128xf32>
    %abs3A = math.absf %add3A_13 : vector<16000x128xf32>
    %mul3A_16 = arith.constant -1.44269502 : f32
    %mul3A_17 = vector.broadcast %mul3A_16 : f32 to vector<16000x128xf32>
    %mul3A_18 = arith.mulf %abs3A, %mul3A_17 : vector<16000x128xf32>
    %exp23A = math.exp2 %mul3A_18 : vector<16000x128xf32>
    %add3A_19 = arith.constant 1.000000e+00 : f32
    %add3A_20 = vector.broadcast %add3A_19 : f32 to vector<16000x128xf32>
    %add3A_21 = arith.addf %add3A_20, %exp23A : vector<16000x128xf32>
    %log3A = math.log %add3A_21 : vector<16000x128xf32>
    %log3A_22 = arith.constant 2.000000e+00 : f32
    %log3A_23 = math.log %log3A_22 : f32
    %div3A = vector.broadcast %log3A_23 : f32 to vector<16000x128xf32>
    %div3A_24 = arith.divf %log3A, %div3A : vector<16000x128xf32>
    %mul3A_25 = arith.constant 0.693147182 : f32
    %mul3A_26 = vector.broadcast %mul3A_25 : f32 to vector<16000x128xf32>
    %mul3A_27 = arith.mulf %mul3A_26, %div3A_24 : vector<16000x128xf32>
    %add3A_28 = arith.addf %max3A_15, %mul3A_27 : vector<16000x128xf32>
    %get3A_29 = arith.constant 0 : index
    %get3A_30 = arith.constant 0 : index
    %get3A_31 = vector.load %arg5[%get3A_29, %get3A_30] : memref<128x128xf32, #tpu.memory_space<vmem>>, vector<128x128xf32>
    %get3A_32 = arith.constant 0 : index
    %get3A_33 = arith.constant 0 : index
    %get3A_34 = vector.load %arg6[%get3A_32, %get3A_33] : memref<1x128xf32, #tpu.memory_space<vmem>>, vector<1x128xf32>
    %get3A_35 = arith.constant 0 : index
    %get3A_36 = arith.constant 0 : index
    %get3A_37 = vector.load %arg7[%get3A_35, %get3A_36] : memref<1x128xf32, #tpu.memory_space<vmem>>, vector<1x128xf32>
    %dot_general3A_38 = arith.constant dense<0.000000e+00> : vector<16000x128xf32>
    %dot_general3A_39 = tpu.matmul %add3A_28, %get3A_31, %dot_general3A_38 {dimension_numbers = #tpu.dot_dimension_numbers<[1], [0], [0], [1], [0, 0, 1, 1], [], []>, transpose_lhs_hint = false} : vector<16000x128xf32>, vector<128x128xf32>, vector<16000x128xf32> -> vector<16000x128xf32>
    %mul3A_40 = vector.broadcast %get3A_34 : vector<1x128xf32> to vector<16000x128xf32>
    %mul3A_41 = arith.mulf %dot_general3A_39, %mul3A_40 : vector<16000x128xf32>
    %add3A_42 = vector.broadcast %get3A_37 : vector<1x128xf32> to vector<16000x128xf32>
    %add3A_43 = arith.addf %mul3A_41, %add3A_42 : vector<16000x128xf32>
    %max3A_44 = arith.constant 0.000000e+00 : f32
    %max3A_45 = vector.broadcast %max3A_44 : f32 to vector<16000x128xf32>
    %max3A_46 = arith.maximumf %add3A_43, %max3A_45 : vector<16000x128xf32>
    %abs3A_47 = math.absf %add3A_43 : vector<16000x128xf32>
    %mul3A_48 = arith.constant -1.44269502 : f32
    %mul3A_49 = vector.broadcast %mul3A_48 : f32 to vector<16000x128xf32>
    %mul3A_50 = arith.mulf %abs3A_47, %mul3A_49 : vector<16000x128xf32>
    %exp23A_51 = math.exp2 %mul3A_50 : vector<16000x128xf32>
    %add3A_52 = arith.constant 1.000000e+00 : f32
    %add3A_53 = vector.broadcast %add3A_52 : f32 to vector<16000x128xf32>
    %add3A_54 = arith.addf %add3A_53, %exp23A_51 : vector<16000x128xf32>
    %log3A_55 = math.log %add3A_54 : vector<16000x128xf32>
    %log3A_56 = arith.constant 2.000000e+00 : f32
    %log3A_57 = math.log %log3A_56 : f32
    %div3A_58 = vector.broadcast %log3A_57 : f32 to vector<16000x128xf32>
    %div3A_59 = arith.divf %log3A_55, %div3A_58 : vector<16000x128xf32>
    %mul3A_60 = arith.constant 0.693147182 : f32
    %mul3A_61 = vector.broadcast %mul3A_60 : f32 to vector<16000x128xf32>
    %mul3A_62 = arith.mulf %mul3A_61, %div3A_59 : vector<16000x128xf32>
    %add3A_63 = arith.addf %max3A_46, %mul3A_62 : vector<16000x128xf32>
    %get3A_64 = arith.constant 0 : index
    %get3A_65 = arith.constant 0 : index
    %get3A_66 = vector.load %arg8[%get3A_64, %get3A_65] : memref<128x128xf32, #tpu.memory_space<vmem>>, vector<128x128xf32>
    %dot_general3A_67 = arith.constant dense<0.000000e+00> : vector<16000x128xf32>
    %dot_general3A_68 = tpu.matmul %add3A_63, %get3A_66, %dot_general3A_67 {dimension_numbers = #tpu.dot_dimension_numbers<[1], [0], [0], [1], [0, 0, 1, 1], [], []>, transpose_lhs_hint = false} : vector<16000x128xf32>, vector<128x128xf32>, vector<16000x128xf32> -> vector<16000x128xf32>
    %eq3A = arith.constant 0 : i32
    %eq3A_69 = arith.cmpi eq, %arg0, %eq3A : i32
    %convert_element_type3A = arith.extui %eq3A_69 : i1 to i32
    %cond3A = arith.constant 0 : i32
    %cond3A_70 = arith.cmpi ne, %convert_element_type3A, %cond3A : i32
    scf.if %cond3A_70 {
      %broadcast_in_dim3A_89 = arith.constant 0.000000e+00 : f32
      %broadcast_in_dim3A_90 = vector.broadcast %broadcast_in_dim3A_89 : f32 to vector<1x128xf32>
      %swap3A_91 = arith.constant 0 : index
      %swap3A_92 = arith.constant 0 : index
      %swap3A_93 = vector.load %arg9[%swap3A_91, %swap3A_92] : memref<1x128xf32, #tpu.memory_space<vmem>>, vector<1x128xf32>
      tpu.vector_store %arg9[%swap3A_91, %swap3A_92], %broadcast_in_dim3A_90 {strides = array<i32>} : memref<1x128xf32, #tpu.memory_space<vmem>>, vector<1x128xf32>,
      %broadcast_in_dim3A_94 = arith.constant 0.000000e+00 : f32
      %broadcast_in_dim3A_95 = vector.broadcast %broadcast_in_dim3A_94 : f32 to vector<1x128xf32>
      %swap3A_96 = arith.constant 0 : index
      %swap3A_97 = arith.constant 0 : index
      %swap3A_98 = vector.load %arg10[%swap3A_96, %swap3A_97] : memref<1x128xf32, #tpu.memory_space<vmem>>, vector<1x128xf32>
      tpu.vector_store %arg10[%swap3A_96, %swap3A_97], %broadcast_in_dim3A_95 {strides = array<i32>} : memref<1x128xf32, #tpu.memory_space<vmem>>, vector<1x128xf32>,
    } else {
    }
    %get3A_71 = arith.constant 0 : index
    %get3A_72 = arith.constant 0 : index
    %get3A_73 = vector.load %arg9[%get3A_71, %get3A_72] : memref<1x128xf32, #tpu.memory_space<vmem>>, vector<1x128xf32>
    %reduce_sum3A = arith.constant dense<0.000000e+00> : vector<128xf32>
    %reduce_sum3A_74 = vector.multi_reduction <add>, %dot_general3A_68, %reduce_sum3A [0] : vector<16000x128xf32> to vector<128xf32>
    %broadcast_in_dim3A = vector.shape_cast %reduce_sum3A_74 : vector<128xf32> to vector<1x128xf32>
    %add3A_75 = arith.addf %get3A_73, %broadcast_in_dim3A : vector<1x128xf32>
    %swap3A = arith.constant 0 : index
    %swap3A_76 = arith.constant 0 : index
    %swap3A_77 = vector.load %arg9[%swap3A, %swap3A_76] : memref<1x128xf32, #tpu.memory_space<vmem>>, vector<1x128xf32>
    tpu.vector_store %arg9[%swap3A, %swap3A_76], %add3A_75 {strides = array<i32>} : memref<1x128xf32, #tpu.memory_space<vmem>>, vector<1x128xf32>,
    %get3A_78 = arith.constant 0 : index
    %get3A_79 = arith.constant 0 : index
    %get3A_80 = vector.load %arg10[%get3A_78, %get3A_79] : memref<1x128xf32, #tpu.memory_space<vmem>>, vector<1x128xf32>
    %mul3A_81 = arith.mulf %dot_general3A_68, %dot_general3A_68 : vector<16000x128xf32>
    %reduce_sum3A_82 = arith.constant dense<0.000000e+00> : vector<128xf32>
    %reduce_sum3A_83 = vector.multi_reduction <add>, %mul3A_81, %reduce_sum3A_82 [0] : vector<16000x128xf32> to vector<128xf32>
    %broadcast_in_dim3A_84 = vector.shape_cast %reduce_sum3A_83 : vector<128xf32> to vector<1x128xf32>
    %add3A_85 = arith.addf %get3A_80, %broadcast_in_dim3A_84 : vector<1x128xf32>
    %swap3A_86 = arith.constant 0 : index
    %swap3A_87 = arith.constant 0 : index
    %swap3A_88 = vector.load %arg10[%swap3A_86, %swap3A_87] : memref<1x128xf32, #tpu.memory_space<vmem>>, vector<1x128xf32>
    tpu.vector_store %arg10[%swap3A_86, %swap3A_87], %add3A_85 {strides = array<i32>} : memref<1x128xf32, #tpu.memory_space<vmem>>, vector<1x128xf32>,
    return
  }
  func.func @transform_0(%arg0: i32) -> (i32, i32) {
    %c0_i32 = arith.constant 0 : i32
    %c0_i32_0 = arith.constant 0 : i32
    return %arg0, %c0_i32 : i32, i32
  }
  func.func @transform_1(%arg0: i32) -> (i32, i32) {
    %c0_i32 = arith.constant 0 : i32
    %c0_i32_0 = arith.constant 0 : i32
    %c0_i32_1 = arith.constant 0 : i32
    return %c0_i32, %c0_i32_0 : i32, i32
  }
  func.func @transform_2(%arg0: i32) -> (i32, i32) {
    %c0_i32 = arith.constant 0 : i32
    %c0_i32_0 = arith.constant 0 : i32
    %c0_i32_1 = arith.constant 0 : i32
    return %c0_i32, %c0_i32_0 : i32, i32
  }
  func.func @transform_3(%arg0: i32) -> (i32, i32) {
    %c0_i32 = arith.constant 0 : i32
    %c0_i32_0 = arith.constant 0 : i32
    %c0_i32_1 = arith.constant 0 : i32
    return %c0_i32, %c0_i32_0 : i32, i32
  }
  func.func @transform_4(%arg0: i32) -> (i32, i32) {
    %c0_i32 = arith.constant 0 : i32
    %c0_i32_0 = arith.constant 0 : i32
    %c0_i32_1 = arith.constant 0 : i32
    return %c0_i32, %c0_i32_0 : i32, i32
  }
  func.func @transform_5(%arg0: i32) -> (i32, i32) {
    %c0_i32 = arith.constant 0 : i32
    %c0_i32_0 = arith.constant 0 : i32
    %c0_i32_1 = arith.constant 0 : i32
    return %c0_i32, %c0_i32_0 : i32, i32
  }
  func.func @transform_6(%arg0: i32) -> (i32, i32) {
    %c0_i32 = arith.constant 0 : i32
    %c0_i32_0 = arith.constant 0 : i32
    %c0_i32_1 = arith.constant 0 : i32
    return %c0_i32, %c0_i32_0 : i32, i32
  }
  func.func @transform_7(%arg0: i32) -> (i32, i32) {
    %c0_i32 = arith.constant 0 : i32
    %c0_i32_0 = arith.constant 0 : i32
    %c0_i32_1 = arith.constant 0 : i32
    return %c0_i32, %c0_i32_0 : i32, i32
  }
  func.func @transform_8(%arg0: i32) -> (i32, i32) {
    %c0_i32 = arith.constant 0 : i32
    %c0_i32_0 = arith.constant 0 : i32
    %c0_i32_1 = arith.constant 0 : i32
    return %c0_i32, %c0_i32_0 : i32, i32
  }
  func.func @transform_9(%arg0: i32) -> (i32, i32) {
    %c0_i32 = arith.constant 0 : i32
    %c0_i32_0 = arith.constant 0 : i32
    %c0_i32_1 = arith.constant 0 : i32
    return %c0_i32, %c0_i32_0 : i32, i32
  }
}

module attributes {stable_mosaic.version = 14 : i64} {
  func.func @body(%arg0: i32, %arg1: memref<16000x128xf32, #tpu.memory_space<vmem>>, %arg2: memref<128x128xf32, #tpu.memory_space<vmem>>, %arg3: memref<1x128xf32, #tpu.memory_space<vmem>>, %arg4: memref<1x128xf32, #tpu.memory_space<vmem>>, %arg5: memref<128x128xf32, #tpu.memory_space<vmem>>, %arg6: memref<1x128xf32, #tpu.memory_space<vmem>>, %arg7: memref<1x128xf32, #tpu.memory_space<vmem>>, %arg8: memref<128x128xf32, #tpu.memory_space<vmem>>, %arg9: memref<1x128xf32, #tpu.memory_space<vmem>>, %arg10: memref<1x128xf32, #tpu.memory_space<vmem>>, %arg11: memref<128x8xf32, #tpu.memory_space<vmem>>, %arg12: memref<1x128xf32, #tpu.memory_space<vmem>>, %arg13: memref<8x16000xf32, #tpu.memory_space<vmem>>) attributes {dimension_semantics = [#tpu.dimension_semantics<arbitrary>], iteration_bounds = array<i64: 25>, scalar_prefetch = 0 : i64, scratch_operands = 0 : i64, tpu.core_type = #tpu.core_type<tc>, window_params = [{transform_indices = @transform_0, window_bounds = array<i64: 16000, 128>}, {pipeline_mode = #tpu.pipeline_mode<synchronous>, transform_indices = @transform_1, window_bounds = array<i64: 128, 128>}, {pipeline_mode = #tpu.pipeline_mode<synchronous>, transform_indices = @transform_2, window_bounds = array<i64: 1, 128>}, {pipeline_mode = #tpu.pipeline_mode<synchronous>, transform_indices = @transform_3, window_bounds = array<i64: 1, 128>}, {pipeline_mode = #tpu.pipeline_mode<synchronous>, transform_indices = @transform_4, window_bounds = array<i64: 128, 128>}, {pipeline_mode = #tpu.pipeline_mode<synchronous>, transform_indices = @transform_5, window_bounds = array<i64: 1, 128>}, {pipeline_mode = #tpu.pipeline_mode<synchronous>, transform_indices = @transform_6, window_bounds = array<i64: 1, 128>}, {pipeline_mode = #tpu.pipeline_mode<synchronous>, transform_indices = @transform_7, window_bounds = array<i64: 128, 128>}, {pipeline_mode = #tpu.pipeline_mode<synchronous>, transform_indices = @transform_8, window_bounds = array<i64: 1, 128>}, {pipeline_mode = #tpu.pipeline_mode<synchronous>, transform_indices = @transform_9, window_bounds = array<i64: 1, 128>}, {pipeline_mode = #tpu.pipeline_mode<synchronous>, transform_indices = @transform_10, window_bounds = array<i64: 128, 8>}, {pipeline_mode = #tpu.pipeline_mode<synchronous>, transform_indices = @transform_11, window_bounds = array<i64: 1, 128>}, {transform_indices = @transform_12, window_bounds = array<i64: 8, 16000>}]} {
    %get3A = arith.constant 0 : index
    %get3A_0 = arith.constant 0 : index
    %get3A_1 = vector.load %arg1[%get3A, %get3A_0] : memref<16000x128xf32, #tpu.memory_space<vmem>>, vector<16000x128xf32>
    %get3A_2 = arith.constant 0 : index
    %get3A_3 = arith.constant 0 : index
    %get3A_4 = vector.load %arg2[%get3A_2, %get3A_3] : memref<128x128xf32, #tpu.memory_space<vmem>>, vector<128x128xf32>
    %get3A_5 = arith.constant 0 : index
    %get3A_6 = arith.constant 0 : index
    %get3A_7 = vector.load %arg3[%get3A_5, %get3A_6] : memref<1x128xf32, #tpu.memory_space<vmem>>, vector<1x128xf32>
    %get3A_8 = arith.constant 0 : index
    %get3A_9 = arith.constant 0 : index
    %get3A_10 = vector.load %arg4[%get3A_8, %get3A_9] : memref<1x128xf32, #tpu.memory_space<vmem>>, vector<1x128xf32>
    %dot_general3A = arith.constant dense<0.000000e+00> : vector<16000x128xf32>
    %dot_general3A_11 = tpu.matmul %get3A_1, %get3A_4, %dot_general3A {dimension_numbers = #tpu.dot_dimension_numbers<[1], [0], [0], [1], [0, 0, 1, 1], [], []>, transpose_lhs_hint = false} : vector<16000x128xf32>, vector<128x128xf32>, vector<16000x128xf32> -> vector<16000x128xf32>
    %mul3A = vector.broadcast %get3A_7 : vector<1x128xf32> to vector<16000x128xf32>
    %mul3A_12 = arith.mulf %dot_general3A_11, %mul3A : vector<16000x128xf32>
    %add3A = vector.broadcast %get3A_10 : vector<1x128xf32> to vector<16000x128xf32>
    %add3A_13 = arith.addf %mul3A_12, %add3A : vector<16000x128xf32>
    %max3A = arith.constant 0.000000e+00 : f32
    %max3A_14 = vector.broadcast %max3A : f32 to vector<16000x128xf32>
    %max3A_15 = arith.maximumf %add3A_13, %max3A_14 : vector<16000x128xf32>
    %abs3A = math.absf %add3A_13 : vector<16000x128xf32>
    %mul3A_16 = arith.constant -1.44269502 : f32
    %mul3A_17 = vector.broadcast %mul3A_16 : f32 to vector<16000x128xf32>
    %mul3A_18 = arith.mulf %abs3A, %mul3A_17 : vector<16000x128xf32>
    %exp23A = math.exp2 %mul3A_18 : vector<16000x128xf32>
    %add3A_19 = arith.constant 1.000000e+00 : f32
    %add3A_20 = vector.broadcast %add3A_19 : f32 to vector<16000x128xf32>
    %add3A_21 = arith.addf %add3A_20, %exp23A : vector<16000x128xf32>
    %log3A = math.log %add3A_21 : vector<16000x128xf32>
    %log3A_22 = arith.constant 2.000000e+00 : f32
    %log3A_23 = math.log %log3A_22 : f32
    %div3A = vector.broadcast %log3A_23 : f32 to vector<16000x128xf32>
    %div3A_24 = arith.divf %log3A, %div3A : vector<16000x128xf32>
    %mul3A_25 = arith.constant 0.693147182 : f32
    %mul3A_26 = vector.broadcast %mul3A_25 : f32 to vector<16000x128xf32>
    %mul3A_27 = arith.mulf %mul3A_26, %div3A_24 : vector<16000x128xf32>
    %add3A_28 = arith.addf %max3A_15, %mul3A_27 : vector<16000x128xf32>
    %get3A_29 = arith.constant 0 : index
    %get3A_30 = arith.constant 0 : index
    %get3A_31 = vector.load %arg5[%get3A_29, %get3A_30] : memref<128x128xf32, #tpu.memory_space<vmem>>, vector<128x128xf32>
    %get3A_32 = arith.constant 0 : index
    %get3A_33 = arith.constant 0 : index
    %get3A_34 = vector.load %arg6[%get3A_32, %get3A_33] : memref<1x128xf32, #tpu.memory_space<vmem>>, vector<1x128xf32>
    %get3A_35 = arith.constant 0 : index
    %get3A_36 = arith.constant 0 : index
    %get3A_37 = vector.load %arg7[%get3A_35, %get3A_36] : memref<1x128xf32, #tpu.memory_space<vmem>>, vector<1x128xf32>
    %dot_general3A_38 = arith.constant dense<0.000000e+00> : vector<16000x128xf32>
    %dot_general3A_39 = tpu.matmul %add3A_28, %get3A_31, %dot_general3A_38 {dimension_numbers = #tpu.dot_dimension_numbers<[1], [0], [0], [1], [0, 0, 1, 1], [], []>, transpose_lhs_hint = false} : vector<16000x128xf32>, vector<128x128xf32>, vector<16000x128xf32> -> vector<16000x128xf32>
    %mul3A_40 = vector.broadcast %get3A_34 : vector<1x128xf32> to vector<16000x128xf32>
    %mul3A_41 = arith.mulf %dot_general3A_39, %mul3A_40 : vector<16000x128xf32>
    %add3A_42 = vector.broadcast %get3A_37 : vector<1x128xf32> to vector<16000x128xf32>
    %add3A_43 = arith.addf %mul3A_41, %add3A_42 : vector<16000x128xf32>
    %max3A_44 = arith.constant 0.000000e+00 : f32
    %max3A_45 = vector.broadcast %max3A_44 : f32 to vector<16000x128xf32>
    %max3A_46 = arith.maximumf %add3A_43, %max3A_45 : vector<16000x128xf32>
    %abs3A_47 = math.absf %add3A_43 : vector<16000x128xf32>
    %mul3A_48 = arith.constant -1.44269502 : f32
    %mul3A_49 = vector.broadcast %mul3A_48 : f32 to vector<16000x128xf32>
    %mul3A_50 = arith.mulf %abs3A_47, %mul3A_49 : vector<16000x128xf32>
    %exp23A_51 = math.exp2 %mul3A_50 : vector<16000x128xf32>
    %add3A_52 = arith.constant 1.000000e+00 : f32
    %add3A_53 = vector.broadcast %add3A_52 : f32 to vector<16000x128xf32>
    %add3A_54 = arith.addf %add3A_53, %exp23A_51 : vector<16000x128xf32>
    %log3A_55 = math.log %add3A_54 : vector<16000x128xf32>
    %log3A_56 = arith.constant 2.000000e+00 : f32
    %log3A_57 = math.log %log3A_56 : f32
    %div3A_58 = vector.broadcast %log3A_57 : f32 to vector<16000x128xf32>
    %div3A_59 = arith.divf %log3A_55, %div3A_58 : vector<16000x128xf32>
    %mul3A_60 = arith.constant 0.693147182 : f32
    %mul3A_61 = vector.broadcast %mul3A_60 : f32 to vector<16000x128xf32>
    %mul3A_62 = arith.mulf %mul3A_61, %div3A_59 : vector<16000x128xf32>
    %add3A_63 = arith.addf %max3A_46, %mul3A_62 : vector<16000x128xf32>
    %get3A_64 = arith.constant 0 : index
    %get3A_65 = arith.constant 0 : index
    %get3A_66 = vector.load %arg8[%get3A_64, %get3A_65] : memref<128x128xf32, #tpu.memory_space<vmem>>, vector<128x128xf32>
    %get3A_67 = arith.constant 0 : index
    %get3A_68 = arith.constant 0 : index
    %get3A_69 = vector.load %arg9[%get3A_67, %get3A_68] : memref<1x128xf32, #tpu.memory_space<vmem>>, vector<1x128xf32>
    %get3A_70 = arith.constant 0 : index
    %get3A_71 = arith.constant 0 : index
    %get3A_72 = vector.load %arg10[%get3A_70, %get3A_71] : memref<1x128xf32, #tpu.memory_space<vmem>>, vector<1x128xf32>
    %dot_general3A_73 = arith.constant dense<0.000000e+00> : vector<16000x128xf32>
    %dot_general3A_74 = tpu.matmul %add3A_63, %get3A_66, %dot_general3A_73 {dimension_numbers = #tpu.dot_dimension_numbers<[1], [0], [0], [1], [0, 0, 1, 1], [], []>, transpose_lhs_hint = false} : vector<16000x128xf32>, vector<128x128xf32>, vector<16000x128xf32> -> vector<16000x128xf32>
    %mul3A_75 = vector.broadcast %get3A_69 : vector<1x128xf32> to vector<16000x128xf32>
    %mul3A_76 = arith.mulf %dot_general3A_74, %mul3A_75 : vector<16000x128xf32>
    %add3A_77 = vector.broadcast %get3A_72 : vector<1x128xf32> to vector<16000x128xf32>
    %add3A_78 = arith.addf %mul3A_76, %add3A_77 : vector<16000x128xf32>
    %max3A_79 = arith.constant 0.000000e+00 : f32
    %max3A_80 = vector.broadcast %max3A_79 : f32 to vector<16000x128xf32>
    %max3A_81 = arith.maximumf %add3A_78, %max3A_80 : vector<16000x128xf32>
    %abs3A_82 = math.absf %add3A_78 : vector<16000x128xf32>
    %mul3A_83 = arith.constant -1.44269502 : f32
    %mul3A_84 = vector.broadcast %mul3A_83 : f32 to vector<16000x128xf32>
    %mul3A_85 = arith.mulf %abs3A_82, %mul3A_84 : vector<16000x128xf32>
    %exp23A_86 = math.exp2 %mul3A_85 : vector<16000x128xf32>
    %add3A_87 = arith.constant 1.000000e+00 : f32
    %add3A_88 = vector.broadcast %add3A_87 : f32 to vector<16000x128xf32>
    %add3A_89 = arith.addf %add3A_88, %exp23A_86 : vector<16000x128xf32>
    %log3A_90 = math.log %add3A_89 : vector<16000x128xf32>
    %log3A_91 = arith.constant 2.000000e+00 : f32
    %log3A_92 = math.log %log3A_91 : f32
    %div3A_93 = vector.broadcast %log3A_92 : f32 to vector<16000x128xf32>
    %div3A_94 = arith.divf %log3A_90, %div3A_93 : vector<16000x128xf32>
    %mul3A_95 = arith.constant 0.693147182 : f32
    %mul3A_96 = vector.broadcast %mul3A_95 : f32 to vector<16000x128xf32>
    %mul3A_97 = arith.mulf %mul3A_96, %div3A_94 : vector<16000x128xf32>
    %add3A_98 = arith.addf %max3A_81, %mul3A_97 : vector<16000x128xf32>
    %get3A_99 = arith.constant 0 : index
    %get3A_100 = arith.constant 0 : index
    %get3A_101 = vector.load %arg11[%get3A_99, %get3A_100] : memref<128x8xf32, #tpu.memory_space<vmem>>, vector<128x8xf32>
    %dot_general3A_102 = arith.constant dense<0.000000e+00> : vector<16000x8xf32>
    %dot_general3A_103 = tpu.matmul %add3A_98, %get3A_101, %dot_general3A_102 {dimension_numbers = #tpu.dot_dimension_numbers<[1], [0], [0], [1], [0, 0, 1, 1], [], []>, transpose_lhs_hint = false} : vector<16000x128xf32>, vector<128x8xf32>, vector<16000x8xf32> -> vector<16000x8xf32>
    %get3A_104 = arith.constant 0 : index
    %get3A_105 = arith.constant 0 : index
    %get3A_106 = vector.load %arg12[%get3A_104, %get3A_105] : memref<1x128xf32, #tpu.memory_space<vmem>>, vector<1x1xf32>
    %get3A_107 = vector.extract %get3A_106[0, 0] : f32 from vector<1x1xf32>
    %add3A_108 = vector.broadcast %get3A_107 : f32 to vector<16000x8xf32>
    %add3A_109 = arith.addf %dot_general3A_103, %add3A_108 : vector<16000x8xf32>
    %transpose3A = tpu.transpose %add3A_109, [1, 0] : vector<16000x8xf32> -> vector<8x16000xf32>
    %swap3A = arith.constant 0 : index
    %swap3A_110 = arith.constant 0 : index
    %swap3A_111 = vector.load %arg13[%swap3A, %swap3A_110] : memref<8x16000xf32, #tpu.memory_space<vmem>>, vector<8x16000xf32>
    tpu.vector_store %arg13[%swap3A, %swap3A_110], %transpose3A {strides = array<i32>} : memref<8x16000xf32, #tpu.memory_space<vmem>>, vector<8x16000xf32>,
    return
  }
  func.func @transform_0(%arg0: i32) -> (i32, i32) {
    %c0_i32 = arith.constant 0 : i32
    %c0_i32_0 = arith.constant 0 : i32
    return %arg0, %c0_i32 : i32, i32
  }
  func.func @transform_1(%arg0: i32) -> (i32, i32) {
    %c0_i32 = arith.constant 0 : i32
    %c0_i32_0 = arith.constant 0 : i32
    %c0_i32_1 = arith.constant 0 : i32
    return %c0_i32, %c0_i32_0 : i32, i32
  }
  func.func @transform_2(%arg0: i32) -> (i32, i32) {
    %c0_i32 = arith.constant 0 : i32
    %c0_i32_0 = arith.constant 0 : i32
    %c0_i32_1 = arith.constant 0 : i32
    return %c0_i32, %c0_i32_0 : i32, i32
  }
  func.func @transform_3(%arg0: i32) -> (i32, i32) {
    %c0_i32 = arith.constant 0 : i32
    %c0_i32_0 = arith.constant 0 : i32
    %c0_i32_1 = arith.constant 0 : i32
    return %c0_i32, %c0_i32_0 : i32, i32
  }
  func.func @transform_4(%arg0: i32) -> (i32, i32) {
    %c0_i32 = arith.constant 0 : i32
    %c0_i32_0 = arith.constant 0 : i32
    %c0_i32_1 = arith.constant 0 : i32
    return %c0_i32, %c0_i32_0 : i32, i32
  }
  func.func @transform_5(%arg0: i32) -> (i32, i32) {
    %c0_i32 = arith.constant 0 : i32
    %c0_i32_0 = arith.constant 0 : i32
    %c0_i32_1 = arith.constant 0 : i32
    return %c0_i32, %c0_i32_0 : i32, i32
  }
  func.func @transform_6(%arg0: i32) -> (i32, i32) {
    %c0_i32 = arith.constant 0 : i32
    %c0_i32_0 = arith.constant 0 : i32
    %c0_i32_1 = arith.constant 0 : i32
    return %c0_i32, %c0_i32_0 : i32, i32
  }
  func.func @transform_7(%arg0: i32) -> (i32, i32) {
    %c0_i32 = arith.constant 0 : i32
    %c0_i32_0 = arith.constant 0 : i32
    %c0_i32_1 = arith.constant 0 : i32
    return %c0_i32, %c0_i32_0 : i32, i32
  }
  func.func @transform_8(%arg0: i32) -> (i32, i32) {
    %c0_i32 = arith.constant 0 : i32
    %c0_i32_0 = arith.constant 0 : i32
    %c0_i32_1 = arith.constant 0 : i32
    return %c0_i32, %c0_i32_0 : i32, i32
  }
  func.func @transform_9(%arg0: i32) -> (i32, i32) {
    %c0_i32 = arith.constant 0 : i32
    %c0_i32_0 = arith.constant 0 : i32
    %c0_i32_1 = arith.constant 0 : i32
    return %c0_i32, %c0_i32_0 : i32, i32
  }
  func.func @transform_10(%arg0: i32) -> (i32, i32) {
    %c0_i32 = arith.constant 0 : i32
    %c0_i32_0 = arith.constant 0 : i32
    %c0_i32_1 = arith.constant 0 : i32
    return %c0_i32, %c0_i32_0 : i32, i32
  }
  func.func @transform_11(%arg0: i32) -> (i32, i32) {
    %c0_i32 = arith.constant 0 : i32
    %c0_i32_0 = arith.constant 0 : i32
    %c0_i32_1 = arith.constant 0 : i32
    return %c0_i32, %c0_i32_0 : i32, i32
  }
  func.func @transform_12(%arg0: i32) -> (i32, i32) {
    %c0_i32 = arith.constant 0 : i32
    %c0_i32_0 = arith.constant 0 : i32
    return %c0_i32, %arg0 : i32, i32
  }
}

</mosaic_0001>

<sc_bundles>
// kernel: kernel.7.cloned.1.call-start
scs
__scs_entry_jumppad:
0x0: {  	(pc) =	sbr.rel $0x88, $3  }
0x1: {  	(tag) =	ssettag $0x0;
	lr =	simm.s32 $0x1  }
0x2: {  	[smem:$0x3F8F] =	sst lr;
	_ =	strace $0xD0000000  }
0x3: {  	_ = 	snop  }
0x4: {  	_ = 	snop  }
0x5: {  	_ = 	snop  }
0x6: {  	_ = 	snop  }
0x7: {  	_ = 	snop  }
__scs_overlays_trampoline_lowered:
0x8: {  	[smem:$0x3F9E] =	sst s0  }
0x9: {  	[smem:$0x3F9F] =	sst s1  }
0xa: {  	[smem:$0x3FA0] =	sst s2  }
0xb: {  	[smem:$0x3FA1] =	sst s3  }
0xc: {  	[smem:$0x3FA2] =	sst s4  }
0xd: {  	[smem:$0x3FA3] =	sst s5  }
0xe: {  	[smem:$0x3FA4] =	sst s6  }
0xf: {  	[smem:$0x3FA5] =	sst s7  }
0x10: {  	[smem:$0x3FA6] =	sst s8  }
0x11: {  	[smem:$0x3FA7] =	sst s9;
	s0 =	simm.s32 @!p0 $0x0  }
0x12: {  	s1 =	sld [smem:$0x3F8D];
	s0 =	simm.s32 @p0 $0x1  }
0x13: {  	[smem:$0x3FA8] =	sst s0;
	s0 =	simm.s32 @!p1 $0x0  }
0x14: {  	s2 =	sld [smem:$0x3F8C];
	s0 =	simm.s32 @p1 $0x1  }
0x15: {  	[smem:$0x3FA9] =	sst s0;
	s0 =	simm.s32 @!p2 $0x0  }
0x16: {  	s3 =	sld [smem:$0x3FDB];
	s0 =	simm.s32 @p2 $0x1  }
0x17: {  	s4 =	simm.s32 $0x1BF5;
	[smem:$0x3FAB] =	sst s0  }
0x18: {  	s0 =	sld [smem:$0x3F8E];
	_ =	swait.ge [sflag:s4], $0x0  }
0x19: {  	s7 =	sld [smem:$0x3F8F]  }
0x1a: {  	s8 =	sadd.s32 $0xFFFFE003, lr  }
0x1b: {  	s9 =	sadd.s32 $0xFFFFFEF7, lr;
	s5 =	simm.s32 $0xFFFFFFFF;
	p2 =	slt.u32 s8, $0xFFFFF086  }
0x1c: {  	p1 =	slt.u32 s9, $0xF7A;
	s5 =	simm.s32 @!p2 $0x0  }
0x1d: {  	s5 =	simm.s32 @p1 $0x1;
	p0 =	seq.s32 s7, s2  }
0x1e: {  	s7 =	smul.u32 @!p0 $0xF7A, s2;
	p2 =	seq.s32 @!p0 s5, $0x0  }
0x1f: {  	s9 =	smul.u32 $0xF7A, s1;
	s8 =	simm.s32 @!p0 $0x1BF5;
	p2 =	por !p2, p0  }
0x20: {  	[sflag:s8] =	ssyncset.s32 @!p0 $0xFFFFF086;
	s6 =	sadd.s32 @!p0 s3, s7;
	s7 =	simm.s32 @!p0 $0x108  }
0x21: {  	s3 =	sadd.s32 s3, s9;
	s6 =	sadd.s32 @!p0 $0x88, s6;
	s7 =	simm.s32 @p2 $0x1082  }
0x22: {  	[simem:s7], [sflag:s8] =	dma.local @!p0 [hbm:s6], $0xF7A  }
0x23: {  	s9 =	sor.u32 $0xD0000000, s2;
	s6 =	simm.s32 $0x108;
	_ =	swait.ge @!p0 [sflag:s8], $0x0  }
0x24: {  	s3 =	sadd.s32 $0x88, s3;
	s6 =	simm.s32 @!p1 $0x1082;
	[sflag:s4] =	ssyncset.s32 $0xFFFFF086  }
0x25: {  	[simem:s6], [sflag:s4] =	dma.local [hbm:s3], $0xF7A  }
0x26: {  	[smem:$0x3F8F] =	sst s1;
	(tag) =	ssettag s2;
	_ =	strace s9  }
0x27: {  	s1 =	sld [smem:$0x3F9F]  }
0x28: {  	s2 =	sld [smem:$0x3FA0]  }
0x29: {  	s4 =	sld [smem:$0x3FA2]  }
0x2a: {  	p0 =	seq.s32 s5, $0x0;
	s5 =	sld [smem:$0x3FA3]  }
0x2b: {  	s6 =	sld [smem:$0x3FA4]  }
0x2c: {  	s7 =	sld [smem:$0x3FA5]  }
0x2d: {  	s3 =	simm.s32 $0x108;
	s8 =	sld [smem:$0x3FA6]  }
0x2e: {  	s3 =	simm.s32 @!p0 $0x1082;
	s9 =	sld [smem:$0x3FA7]  }
0x2f: {  	lr =	sadd.s32 s0, s3;
	s0 =	sld [smem:$0x3F9E]  }
0x30: {  	s3 =	sld [smem:$0x3FA1]  }
0x31: {  	[smem:$0x3FAA] =	sst s10  }
0x32: {  	s10 =	sld [smem:$0x3FA8];
	_ =	sdelay $0x3  }
0x33: {  	p0 =	seq.s32 s10, $0x1;
	s10 =	sld [smem:$0x3FAA];
	_ =	sdelay $0x3  }
0x34: {  	[smem:$0x3FAA] =	sst s10  }
0x35: {  	s10 =	sld [smem:$0x3FA9];
	_ =	sdelay $0x3  }
0x36: {  	p1 =	seq.s32 s10, $0x1;
	s10 =	sld [smem:$0x3FAA];
	_ =	sdelay $0x3  }
0x37: {  	[smem:$0x3FAA] =	sst s10  }
0x38: {  	s10 =	sld [smem:$0x3FAB]  }
0x39: {  	_ = 	snop;
	(pc) =	sbr.ind lr, $3  }
0x3a: {  	_ = 	snop  }
0x3b: {  	_ = 	snop  }
0x3c: {  	p2 =	seq.s32 s10, $0x1;
	s10 =	sld [smem:$0x3FAA]  }
0x3d: {  	_ =	shalt  }
0x3e: {  	_ =	shalt  }
0x3f: {  	_ =	shalt  }
0x40: {  	_ =	shalt  }
0x41: {  	_ =	shalt  }
0x42: {  	_ =	shalt  }
0x43: {  	_ =	shalt  }
0x44: {  	_ =	shalt  }
0x45: {  	_ =	shalt  }
0x46: {  	_ =	shalt  }
0x47: {  	_ =	shalt  }
0x48: {  	_ =	shalt  }
0x49: {  	_ =	shalt  }
0x4a: {  	_ =	shalt  }
0x4b: {  	_ =	shalt  }
0x4c: {  	_ =	shalt  }
0x4d: {  	_ =	shalt  }
0x4e: {  	_ =	shalt  }
0x4f: {  	_ =	shalt  }
0x50: {  	_ =	shalt  }
0x51: {  	_ =	shalt  }
0x52: {  	_ =	shalt  }
0x53: {  	_ =	shalt  }
0x54: {  	_ =	shalt  }
0x55: {  	_ =	shalt  }
0x56: {  	_ =	shalt  }
0x57: {  	_ =	shalt  }
0x58: {  	_ =	shalt  }
0x59: {  	_ =	shalt  }
0x5a: {  	_ =	shalt  }
0x5b: {  	_ =	shalt  }
0x5c: {  	_ =	shalt  }
0x5d: {  	_ =	shalt  }
0x5e: {  	_ =	shalt  }
0x5f: {  	_ =	shalt  }
0x60: {  	_ =	shalt  }
0x61: {  	_ =	shalt  }
0x62: {  	_ =	shalt  }
0x63: {  	_ =	shalt  }
0x64: {  	_ =	shalt  }
0x65: {  	_ =	shalt  }
0x66: {  	_ =	shalt  }
0x67: {  	_ =	shalt  }
0x68: {  	_ =	shalt  }
0x69: {  	_ =	shalt  }
0x6a: {  	_ =	shalt  }
0x6b: {  	_ =	shalt  }
0x6c: {  	_ =	shalt  }
0x6d: {  	_ =	shalt  }
0x6e: {  	_ =	shalt  }
0x6f: {  	_ =	shalt  }
0x70: {  	_ =	shalt  }
0x71: {  	_ =	shalt  }
0x72: {  	_ =	shalt  }
0x73: {  	_ =	shalt  }
0x74: {  	_ =	shalt  }
0x75: {  	_ =	shalt  }
0x76: {  	_ =	shalt  }
0x77: {  	_ =	shalt  }
0x78: {  	_ =	shalt  }
0x79: {  	_ =	shalt  }
0x7a: {  	_ =	shalt  }
0x7b: {  	_ =	shalt  }
0x7c: {  	_ =	shalt  }
0x7d: {  	_ =	shalt  }
0x7e: {  	_ =	shalt  }
0x7f: {  	_ =	shalt  }
0x80: {  	_ =	shalt  }
0x81: {  	_ =	shalt  }
0x82: {  	_ =	shalt  }
0x83: {  	_ =	shalt  }
0x84: {  	_ =	shalt  }
0x85: {  	_ =	shalt  }
0x86: {  	_ =	shalt  }
0x87: {  	_ =	shalt  }
.Lfunc_end0:
.L_simem_size_0:
called_computation_lowered:
.L_overlay_start_0:
0x88: {  	s2 =	sld [smem:$0x3FD9]  }
0x89: {  	s3 =	sld [smem:$0x3FFE];
	_ =	sdelay $0x1  }
0x8a: {  	s1 =	srdreg.scid  }
0x8b: {  	s0 =	sand.u32 $0x1, s1  }
0x8c: {  	s17 =	sshll.u32 s0, $0xA;
	s2 =	sadd.s32 s3, s2  }
0x8d: {  	s2 =	sadd.s32 s2, s17  }
0x8e: {  	[smem:$0x3FB6] =	sst s2  }
0x8f: {  	_ = 	snop  }
0x90: {  	s2 =	sld [smem:$0x3FD0];
	(tm) =	ssettm $0x1  }
0x91: {  	s18 =	sld [smem:$0x3FFB];
	_ =	sdelay $0x3  }
0x92: {  	_ =	strace s18  }
0x93: {  	s3 =	sld [smem:$0x3FFC];
	_ =	sdelay $0x3  }
0x94: {  	_ =	strace s3  }
0x95: {  	s3 =	sld [smem:$0x3FFD];
	_ =	sdelay $0x3  }
0x96: {  	_ =	strace s3  }
0x97: {  	_ =	strace $0x8FFFFFFF  }
0x98: {  	s19 =	sld [smem:$0x3FDB];
	_ =	sdelay $0x1  }
0x99: {  	s4 =	simm.s32 $_scs_section_size  }
0x9a: {  	s5 =	simm.s32 $_size__tile_overlayer_lowered;
	s6 =	simm.s32 $_tile_overlayer_lowered  }
0x9b: {  	s22 =	simm.s32 $0x1BFF;
	s21 =	sshll.u32 s6, $0x1;
	s3 =	sadd.s32 s4, s19  }
0x9c: {  	s7 =	simm.s32 $0x0;
	s20 =	sshll.u32 s5, $0x1;
	s5 =	sadd.s32 s21, s3  }
0x9d: {  	[timem:s7], [sflag:s22] =	dma.local [hbm:s5], s20  }
0x9e: {  	_ =	swait.ge [sflag:s22], s20  }
0x9f: {  	s4 =	ssub.s32 $0x0, s20;
	[sflag:s22] =	ssyncset.done $0x0  }
0xa0: {  	[sflag:s22] =	ssyncadd.s32 s4;
	_ =	sdelay $0x1  }
0xa1: {  	s23 =	simm.s32 $0x1B8B  }
0xa2: {  	_ =	swait.ge [sflag:s23], $0x1  }
0xa3: {  	[sflag:s23] =	ssyncset.done $0x0  }
0xa4: {  	s25 =	simm.s32 $0x1B8E;
	s24 =	sld [smem:$0x3FFE];
	[sflag:s23] =	ssyncadd.s32 $0xFFFFFFFF  }
0xa5: {  	s26 =	simm.s32 $execute0_lowered;
	[smem:$0x3FD2] =	sst s25  }
0xa6: {  	s5 =	sshll.u32 s26, $0x1;
	_ =	strace $0x80000046;
	[dreg:$0x1] =	wrdreg $0xFFFFFFFF  }
0xa7: {  	s28 =	simm.s32 $_size_execute0_lowered;
	s3 =	sadd.s32 s3, s5;
	[dreg:$0x0] =	wrdreg $0x0  }
0xa8: {  	s5 =	sshll.u32 s28, $0x1;
	[dreg:$0x2] =	wrdreg s3  }
0xa9: {  	[dreg:$0x3] =	wrdreg s5  }
0xaa: {  	[dreg:$0x4] =	wrdreg $0xC0  }
0xab: {  	_ =	task [dreg:s7], $0x5FFFF  }
0xac: {  	[dreg:$0x1] =	wrdreg $0xFFFFFFFF  }
0xad: {  	[dreg:$0x0] =	wrdreg $0x60  }
0xae: {  	[dreg:$0x2] =	wrdreg s24  }
0xaf: {  	[dreg:$0x3] =	wrdreg s2  }
0xb0: {  	[dreg:$0x4] =	wrdreg $0x0  }
0xb1: {  	[dreg:$0x5] =	wrdreg $0x18700  }
0xb2: {  	[dreg:$0x6] =	wrdreg $0x30E00  }
0xb3: {  	[dreg:$0x7] =	wrdreg $0x49500  }
0xb4: {  	[dreg:$0x8] =	wrdreg $0x61C00  }
0xb5: {  	[dreg:$0x9] =	wrdreg $0x7A300  }
0xb6: {  	[dreg:$0xa] =	wrdreg $0x9  }
0xb7: {  	_ =	task.clear_ibuf [dreg:s7], $0xBFFFF;
	_ =	strace $0x90000046  }
0xb8: {  	s29 =	simm.s32 $0x9;
	_ =	strace $0x80000048  }
0xb9: {  	_ =	swait.ge [sflag:s29], $0x1  }
0xba: {  	[sflag:s29] =	ssyncadd.s32 $0xFFFFFFFF  }
0xbb: {  	_ =	strace $0x90000048  }
0xbc: {  	_ =	sfence  }
0xbd: {  	s30 =	sld [smem:$0x0];
	_ =	sdelay $0x2  }
0xbe: {  	s31 =	sshll.u32 s1, $0xD;
	s1 =	sshrl.u32 s1, $0x2  }
0xbf: {  	s3 =	sand.u32 $0x4000, s31;
	s1 =	sadd.s32 s1, s30  }
0xc0: {  	s0 =	sor.u32 s3, s0;
	s1 =	sshll.u32 s1, $0x11  }
0xc1: {  	s0 =	sor.u32 s1, s0  }
0xc2: {  	s0 =	sadd.s32 $0x8F2B, s0  }
0xc3: {  	[sflag:s0] =	ssyncadd.remote.s32 $0x1  }
0xc4: {  	_ =	sfence.sel $0xFFFF  }
0xc5: {  	[dreg:$0x0] =	wrdreg $0xFFFFFFFF;
	(pc) =	sbr.abs _section_cstart, $3  }
0xc6: {  	[dreg:$0x1] =	wrdreg $0xFFFFFFFF  }
0xc7: {  	_ =	task.clear_ibuf [dreg:s7], $0x2FFFF;
	_ =	strace $0x9FFFFFFF  }
0xc8: {  	(tm) =	ssettm $0x7FFFFFFF  }
0xc9: {  	_ =	shalt  }
tec
execute0_lowered:
.L_overlay_start_1:
0x0: {  	(tag) =	ssettag $0x1  }
0x1: {  	s3 =	rddreg [dreg:$0x0]  }
0x2: {  	s2 =	rddreg [dreg:$0x2]  }
0x3: {  	s4 =	rddreg [dreg:$0x3]  }
0x4: {  	s5 =	rddreg [dreg:$0x4]  }
0x5: {  	s6 =	rddreg [dreg:$0x5]  }
0x6: {  	s7 =	rddreg [dreg:$0x6]  }
0x7: {  	s8 =	rddreg [dreg:$0x7]  }
0x8: {  	s11 =	simm.s32 $0x0;
	s18 =	srdreg.scid;
	s29 =	simm.s32 $0x92A0  }
0x9: {  	s31 =	simm.s32 $0x9F20;
	[smem:$0x7FF] =	sst s11;
	s0 =	sadd.s32 $0x128600, s3  }
0xa: {  	s30 =	simm.s32 $0x4;
	s9 =	sadd.s32 $0x125400, s3;
	s12 =	sadd.s32 $0x18D400, s3  }
0xb: {  	s13 =	sadd.s32 $0x12B800, s3;
	_ =	strace $0x80000047;
	[dreg:$0xa] =	wrdreg s0  }
0xc: {  	s14 =	sadd.s32 $0xC3800, s3;
	s10 =	sadd.s32 $0x1EF000, s3;
	[dreg:$0xb] =	wrdreg s9  }
0xd: {  	s15 =	sadd.s32 $0x61C00, s3;
	s17 =	sadd.s32 $0x1F2200, s3;
	[dreg:$0xc] =	wrdreg s10  }
0xe: {  	s16 =	sadd.s32 $0x61A800, s3;
	s1 =	sadd.s32 $0x1F8600, s3;
	[dreg:$0xd] =	wrdreg s17  }
0xf: {  	s19 =	sadd.s32 $0x1FEA00, s3;
	s21 =	sand.u32 $0x1, s18;
	[dreg:$0xe] =	wrdreg s1  }
0x10: {  	s20 =	sadd.s32 $0x1F5400, s3;
	s25 =	sadd.s32 $0x1FB800, s3;
	[dreg:$0xf] =	wrdreg s19  }
0x11: {  	s26 =	sadd.s32 $0x201C00, s3;
	s3 =	simm.s32 $0xC80;
	[dreg:$0x10] =	wrdreg s20  }
0x12: {  	s9 =	stileid.u32;
	s22 =	ssub.s32 $0x2, s21;
	[dreg:$0x11] =	wrdreg s25  }
0x13: {  	p1 =	seq.s32 s21, $0x1;
	[dreg:$0x13] =	wrdreg s26;
	s25 =	simm.s32 $0xD120  }
0x14: {  	s26 =	simm.s32 $0x1;
	s17 =	simm.s32 $0x2;
	s1 =	simm.s32 $0x141A0  }
.Ltmp0:
0x15: {  	s23 =	sshrl.u32 s22, $0x1;
	p0 =	seq.s32 s9, $0x0;
	(pc) =	sbr.rel .LBB2_1-.Ltmp0, $4  }
0x16: {  	s24 =	sor.u32 s21, s9;
	s28 =	sshll.u32 s9, $0x1;
	s0 =	ssub.s32 s22, s23  }
0x17: {  	p0 =	por !p0, !p1;
	p1 =	sne.s32 s24, $0x0;
	s23 =	simm.s32 $0x3  }
0x18: {  	p2 =	por !p0, !p0;
	s0 =	smax.u32 s0, $0x1;
	p0 =	sne.s32 s9, $0x0  }
0x19: {  	s9 =	simm.s32 $0x128A0;
	[dreg:$0x12] =	wrdreg s0;
	s0 =	simm.s32 $0x13520  }
.LBB2_7:
0x1a: {  	s10 =	stileid.u32  }
0x1b: {  	[bflag:$0x0] =	sbarrier.arrive $0xFFFF;
	s10 =	sshll.u32 @!p1 s10, $0x6  }
0x1c: {  	s11 =	sshrl.u32 @!p1 s6, $0x3;
	s18 =	rddreg [dreg:$0xd];
	s10 =	sor.u32 @!p1 $0x1C03, s10  }
0x1d: {  	[hbm:s18], [sflag:s10] =	dma.local @!p1 [spmem:s11], $0x30E0  }
0x1e: {  	s11 =	simm.s32 @!p1 $0x3  }
0x1f: {  	_ =	swait.ge @!p1 [sflag:s11], $0x30E0  }
0x20: {  	[sflag:s11] =	ssyncset.done @!p1 $0x0  }
0x21: {  	s18 =	sshrl.u32 @!p1 s7, $0x3;
	s19 =	rddreg [dreg:$0xe];
	[sflag:s11] =	ssyncadd.s32 @!p1 $0xFFFFCF20  }
0x22: {  	[hbm:s19], [sflag:s10] =	dma.local @!p1 [spmem:s18], $0x30E0  }
0x23: {  	_ =	swait.ge @!p1 [sflag:s11], $0x30E0  }
0x24: {  	[sflag:s11] =	ssyncset.done @!p1 $0x0  }
0x25: {  	s18 =	sshrl.u32 @!p1 s8, $0x3;
	s19 =	rddreg [dreg:$0xf];
	[sflag:s11] =	ssyncadd.s32 @!p1 $0xFFFFCF20  }
0x26: {  	[hbm:s19], [sflag:s10] =	dma.local @!p1 [spmem:s18], $0x30E0  }
0x27: {  	_ =	swait.ge @!p1 [sflag:s11], $0x30E0  }
0x28: {  	s10 =	sshrl.u32 @p2 s6, $0x3;
	[sflag:s11] =	ssyncset.done @!p1 $0x0  }
0x29: {  	s18 =	rddreg [dreg:$0x10];
	[sflag:s11] =	ssyncadd.s32 @!p1 $0xFFFFCF20;
	s11 =	simm.s32 @p2 $0x1C03  }
0x2a: {  	[hbm:s18], [sflag:s11] =	dma.local @p2 [spmem:s10], $0x30E0  }
0x2b: {  	s10 =	simm.s32 @p2 $0x3  }
0x2c: {  	_ =	swait.ge @p2 [sflag:s10], $0x30E0  }
0x2d: {  	[sflag:s10] =	ssyncset.done @p2 $0x0  }
0x2e: {  	s18 =	sshrl.u32 @p2 s7, $0x3;
	s19 =	rddreg [dreg:$0x11];
	[sflag:s10] =	ssyncadd.s32 @p2 $0xFFFFCF20  }
0x2f: {  	[hbm:s19], [sflag:s11] =	dma.local @p2 [spmem:s18], $0x30E0  }
0x30: {  	_ =	swait.ge @p2 [sflag:s10], $0x30E0  }
0x31: {  	[sflag:s10] =	ssyncset.done @p2 $0x0  }
0x32: {  	s18 =	sshrl.u32 @p2 s8, $0x3;
	s19 =	rddreg [dreg:$0x13];
	[sflag:s10] =	ssyncadd.s32 @p2 $0xFFFFCF20  }
0x33: {  	[hbm:s19], [sflag:s11] =	dma.local @p2 [spmem:s18], $0x30E0  }
0x34: {  	_ =	swait.ge @p2 [sflag:s10], $0x30E0  }
0x35: {  	s22 =	rddreg [dreg:$0x9]  }
0x36: {  	s24 =	rddreg [dreg:$0x12];
	s11 =	sadd.s32 $0x1, s22  }
0x37: {  	p3 =	sne.s32 s11, s24  }
.Ltmp1:
0x38: {  	_ = 	snop;
	(pc) =	sbr.rel @!p3 .LBB2_8-.Ltmp1, $3  }
0x39: {  	_ =	sdelay $0x1  }
0x3a: {  	[sflag:s10] =	ssyncset.done @p2 $0x0  }
0x3b: {  	[sflag:s10] =	ssyncadd.s32 @p2 $0xFFFFCF20  }
.LBB2_1:
0x3c: {  	[dreg:$0x9] =	wrdreg s11  }
0x3d: {  	s10 =	sshrl.u32 @!p0 s2, $0x3;
	s11 =	simm.s32 @!p0 $0x1C03;
	s18 =	rddreg [dreg:$0xa]  }
0x3e: {  	[spmem:s10], [sflag:s11] =	dma.local @!p0 [hbm:s18], $0x30E0  }
0x3f: {  	s10 =	simm.s32 @!p0 $0x3  }
0x40: {  	_ =	swait.ge @!p0 [sflag:s10], $0x30E0  }
0x41: {  	[sflag:s10] =	ssyncset.done @!p0 $0x0  }
0x42: {  	s18 =	sshrl.u32 @!p0 s4, $0x3;
	s19 =	rddreg [dreg:$0xb];
	[sflag:s10] =	ssyncadd.s32 @!p0 $0xFFFFCF20  }
0x43: {  	[spmem:s18], [sflag:s11] =	dma.local @!p0 [hbm:s19], $0x30E0  }
0x44: {  	_ =	swait.ge @!p0 [sflag:s10], $0x30E0  }
0x45: {  	[sflag:s10] =	ssyncset.done @!p0 $0x0  }
0x46: {  	[sflag:s10] =	ssyncadd.s32 @!p0 $0xFFFFCF20  }
0x47: {  	s18 =	sshrl.u32 @!p0 s5, $0x3;
	s19 =	rddreg [dreg:$0x1]  }
0x48: {  	[spmem:s18], [sflag:s11] =	dma.local @!p0 [hbm:s19], $0x30E0  }
0x49: {  	_ =	swait.ge @!p0 [sflag:s10], $0x30E0  }
0x4a: {  	[sflag:s10] =	ssyncset.done @!p0 $0x0  }
0x4b: {  	s18 =	sshrl.u32 @!p0 s6, $0x3;
	s19 =	rddreg [dreg:$0xc];
	[sflag:s10] =	ssyncadd.s32 @!p0 $0xFFFFCF20  }
0x4c: {  	[spmem:s18], [sflag:s11] =	dma.local @!p0 [hbm:s19], $0x30E0  }
0x4d: {  	_ =	swait.ge @!p0 [sflag:s10], $0x30E0  }
0x4e: {  	[sflag:s10] =	ssyncset.done @!p0 $0x0  }
0x4f: {  	s18 =	sshrl.u32 @!p0 s7, $0x3;
	[sflag:s10] =	ssyncadd.s32 @!p0 $0xFFFFCF20  }
0x50: {  	[spmem:s18], [sflag:s11] =	dma.local @!p0 [hbm:s19], $0x30E0  }
0x51: {  	_ =	swait.ge @!p0 [sflag:s10], $0x30E0  }
0x52: {  	[sflag:s10] =	ssyncset.done @!p0 $0x0  }
0x53: {  	s18 =	sshrl.u32 @!p0 s8, $0x3;
	[sflag:s10] =	ssyncadd.s32 @!p0 $0xFFFFCF20  }
0x54: {  	[spmem:s18], [sflag:s11] =	dma.local @!p0 [hbm:s19], $0x30E0  }
.Ltmp2:
0x55: {  	_ =	swait.ge @!p0 [sflag:s10], $0x30E0;
	(pc) =	sbr.rel .LBB2_2-.Ltmp2, $4  }
0x56: {  	[sflag:s10] =	ssyncset.done @!p0 $0x0  }
0x57: {  	[sflag:s10] =	ssyncadd.s32 @!p0 $0xFFFFCF20  }
0x58: {  	[bflag:$0x0] =	sbarrier.arrive $0xFFFF  }
0x59: {  	s10 =	simm.s32 $0x0  }
.LBB2_6:
0x5a: {  	s10 =	sadd.s32 $0x1, s10  }
0x5b: {  	p3 =	sne.s32 s10, $0x20  }
.Ltmp3:
0x5c: {  	_ = 	snop;
	(pc) =	sbr.rel @!p3 .LBB2_7-.Ltmp3, $1  }
0x5d: {  	_ =	sdelay $0x3  }
.LBB2_2:
0x5e: {  	s11 =	sshll.u32 s10, $0x5  }
0x5f: {  	s11 =	sor.u32 s28, s11  }
0x60: {  	p3 =	sgt.u32 s11, $0x3E7  }
.Ltmp4:
0x61: {  	_ = 	snop;
	(pc) =	sbr.rel @p3 .LBB2_6-.Ltmp4, $1  }
0x62: {  	_ =	sdelay $0x3  }
0x63: {  	s11 =	sor.u32 s21, s11  }
0x64: {  	s11 =	smul.u32 $0x190, s11;
	_ =	sdelay $0x1  }
0x65: {  	s19 =	simm.s32 $0x0;
	s18 =	sadd.s32 s12, s11  }
0x66: {  	[tilespmem:s29], [sflag:$0x4] =	stream.linear.gather [hbm4b:s18+s19], $0xC80, $0x38;
	[tilespmem:$0x14E20] =	vst v63  }
0x67: {  	_ =	swait.ge [sflag:s30], $0xC80  }
0x68: {  	[sflag:s30] =	ssyncset.done $0x0  }
0x69: {  	s22 =	sadd.s32 s13, s11;
	[sflag:s30] =	ssyncadd.s32 $0xFFFFF380  }
0x6a: {  	[tilespmem:s31], [sflag:$0x4] =	stream.linear.gather [hbm4b:s22+s19], $0xC80, $0x38;
	[tilespmem:$0x14E20] =	vst v63  }
0x6b: {  	_ =	swait.ge [sflag:s30], $0xC80  }
0x6c: {  	[sflag:s30] =	ssyncset.done $0x0  }
0x6d: {  	s24 =	simm.s32 $0xDDA0;
	[sflag:s30] =	ssyncadd.s32 $0xFFFFF380  }
0x6e: {  	[tilespmem:s24], [sflag:$0x1] =	stream.indirect.gather [spmem:s2], $0x1, s29, s3, $0xb8;
	[tilespmem:$0x14E20] =	vst v63  }
0x6f: {  	s20 =	simm.s32 $0xEA20  }
0x70: {  	[tilespmem:s20], [sflag:$0x1] =	stream.indirect.gather [spmem:s4], $0x1, s29, s3, $0xb8;
	[tilespmem:$0x14E20] =	vst v63  }
0x71: {  	s22 =	simm.s32 $0xF6A0  }
0x72: {  	[tilespmem:s22], [sflag:$0x1] =	stream.indirect.gather [spmem:s5], $0x1, s29, s3, $0xb8;
	[tilespmem:$0x14E20] =	vst v63  }
0x73: {  	s24 =	simm.s32 $0x10320  }
0x74: {  	[tilespmem:s24], [sflag:$0x2] =	stream.indirect.gather [spmem:s2], $0x1, s31, s3, $0xb8;
	[tilespmem:$0x14E20] =	vst v63  }
0x75: {  	s20 =	simm.s32 $0x10FA0  }
0x76: {  	[tilespmem:s20], [sflag:$0x2] =	stream.indirect.gather [spmem:s4], $0x1, s31, s3, $0xb8;
	[tilespmem:$0x14E20] =	vst v63  }
0x77: {  	s22 =	simm.s32 $0x11C20  }
0x78: {  	[tilespmem:s22], [sflag:$0x2] =	stream.indirect.gather [spmem:s5], $0x1, s31, s3, $0xb8;
	[tilespmem:$0x14E20] =	vst v63  }
0x79: {  	s24 =	sadd.s32 s14, s11;
	s20 =	simm.s32 $0xABA0  }
0x7a: {  	[tilespmem:s20], [sflag:$0x4] =	stream.linear.gather [hbm4b:s24+s19], $0xC80, $0x38;
	[tilespmem:$0x14E20] =	vst v63  }
0x7b: {  	_ =	swait.ge [sflag:s30], $0xC80  }
0x7c: {  	[sflag:s30] =	ssyncset.done $0x0  }
0x7d: {  	s22 =	sadd.s32 s15, s11;
	s24 =	simm.s32 $0xB820;
	[sflag:s30] =	ssyncadd.s32 $0xFFFFF380  }
0x7e: {  	[tilespmem:s24], [sflag:$0x4] =	stream.linear.gather [hbm4b:s22+s19], $0xC80, $0x38;
	[tilespmem:$0x14E20] =	vst v63  }
0x7f: {  	_ =	swait.ge [sflag:s30], $0xC80  }
0x80: {  	[sflag:s30] =	ssyncset.done $0x0  }
0x81: {  	[sflag:s30] =	ssyncadd.s32 $0xFFFFF380  }
0x82: {  	s22 =	rddreg [dreg:$0x0]  }
0x83: {  	s24 =	simm.s32 $0xC4A0;
	s18 =	sadd.s32 s22, s11  }
0x84: {  	[tilespmem:s24], [sflag:$0x4] =	stream.linear.gather [hbm4b:s18+s19], $0xC80, $0x38;
	[tilespmem:$0x14E20] =	vst v63  }
0x85: {  	_ =	swait.ge [sflag:s30], $0xC80  }
0x86: {  	[sflag:s30] =	ssyncset.done $0x0  }
0x87: {  	s11 =	sadd.s32 s16, s11;
	[sflag:s30] =	ssyncadd.s32 $0xFFFFF380  }
0x88: {  	[tilespmem:s25], [sflag:$0x4] =	stream.linear.gather [hbm4b:s11+s19], $0xC80, $0x38;
	[tilespmem:$0x14E20] =	vst v63  }
0x89: {  	_ =	swait.ge [sflag:s30], $0xC80  }
0x8a: {  	[sflag:s30] =	ssyncset.done $0x0  }
0x8b: {  	[sflag:s30] =	ssyncadd.s32 $0xFFFFF380  }
0x8c: {  	_ =	swait.ge [sflag:s26], $0xC80  }
0x8d: {  	[sflag:s26] =	ssyncset.done $0x0  }
0x8e: {  	[sflag:s26] =	ssyncadd.s32 $0xFFFFF380  }
0x8f: {  	_ =	swait.ge [sflag:s26], $0xC80  }
0x90: {  	[sflag:s26] =	ssyncset.done $0x0  }
0x91: {  	[sflag:s26] =	ssyncadd.s32 $0xFFFFF380  }
0x92: {  	_ =	swait.ge [sflag:s26], $0xC80  }
0x93: {  	[sflag:s26] =	ssyncset.done $0x0  }
0x94: {  	[sflag:s26] =	ssyncadd.s32 $0xFFFFF380  }
0x95: {  	_ =	swait.ge [sflag:s17], $0xC80  }
0x96: {  	[sflag:s17] =	ssyncset.done $0x0  }
0x97: {  	[sflag:s17] =	ssyncadd.s32 $0xFFFFF380  }
0x98: {  	_ =	swait.ge [sflag:s17], $0xC80  }
0x99: {  	[sflag:s17] =	ssyncset.done $0x0  }
0x9a: {  	[sflag:s17] =	ssyncadd.s32 $0xFFFFF380  }
0x9b: {  	_ =	swait.ge [sflag:s17], $0xC80  }
0x9c: {  	[sflag:s17] =	ssyncset.done $0x0  }
0x9d: {  	s20 =	simm.s32 $0x0;
	[sflag:s17] =	ssyncadd.s32 $0xFFFFF380  }
0x9e: {  	v0 =	vld [tilespmem:s20+$0xDDA0]  }
0x9f: {  	v1 =	vld [tilespmem:s20+$0xABA0]  }
0xa0: {  	v2 =	vld [tilespmem:s20+$0xEA20]  }
0xa1: {  	v3 =	vld [tilespmem:s20+$0xB820]  }
0xa2: {  	v4 =	vld [tilespmem:s20+$0x10320]  }
0xa3: {  	v5 =	vld [tilespmem:s20+$0xF6A0]  }
0xa4: {  	v6 =	vld [tilespmem:s20+$0xC4A0]  }
0xa5: {  	v7 =	vld [tilespmem:s20+$0x10FA0];
	_ =	sdelay $0x1  }
0xa6: {  	v0 =	vadd.f32 v1, v0;
	v1 =	vld [tilespmem:s20+$0x11C20]  }
0xa7: {  	s11 =	simm.s32 $0x10;
	v2 =	vadd.f32 v3, v2  }
0xa8: {  	v8 =	vld [tilespmem:s11+$0xF6A0];
	v3 =	vadd.f32 v6, v5  }
0xa9: {  	v9 =	vld [tilespmem:s11+$0xC4A0];
	v21 =	vsub.f32 v0, v4;
	v5 =	vsub.f32 v2, v7  }
0xaa: {  	v0 =	vld [tilespmem:s11+$0xDDA0]  }
0xab: {  	v4 =	vld [tilespmem:s11+$0xABA0];
	v6 =	vmul.f32 v21, v21;
	v24 =	vsub.f32 v3, v1;
	v1 =	vmul.f32 v5, v5  }
0xac: {  	v2 =	vld [tilespmem:s11+$0xEA20]  }
0xad: {  	v7 =	vld [tilespmem:s11+$0xB820];
	v1 =	vadd.f32 v1, v6;
	v6 =	vmul.f32 v24, v24  }
0xae: {  	v10 =	vld [tilespmem:s11+$0x10FA0]  }
0xaf: {  	v3 =	vld [tilespmem:s11+$0x10320];
	v1 =	vadd.f32 v6, v1;
	_ =	sdelay $0x1  }
0xb0: {  	v0 =	vadd.f32 v4, v0;
	v4 =	vld [tilespmem:s11+$0x11C20];
	v6 =	vshra.s32 v1, $0x1;
	v11 =	vmul.f32 $5.000000000e-01, v1  }
0xb1: {  	s18 =	simm.s32 $0x20;
	v1 =	vadd.f32 v7, v2;
	v6 =	vsub.s32 $0x5F3759DF, v6  }
0xb2: {  	v12 =	vld [tilespmem:s18+$0xB820];
	v8 =	vadd.f32 v9, v8;
	v7 =	vmul.f32 v6, v11  }
0xb3: {  	v13 =	vld [tilespmem:s18+$0x10320];
	v2 =	vsub.f32 v0, v3;
	v0 =	vsub.f32 v1, v10  }
0xb4: {  	v14 =	vld [tilespmem:s18+$0xF6A0];
	v7 =	vmul.f32 v6, v7  }
0xb5: {  	v9 =	vld [tilespmem:s18+$0xABA0];
	v4 =	vsub.f32 v8, v4;
	v10 =	vmul.f32 v2, v2;
	v8 =	vmul.f32 v0, v0  }
0xb6: {  	v3 =	vld [tilespmem:s18+$0xDDA0];
	v7 =	vsub.f32 $1.500000000e+00, v7  }
0xb7: {  	v1 =	vld [tilespmem:s18+$0xEA20];
	v8 =	vadd.f32 v8, v10;
	v10 =	vmul.f32 v4, v4  }
0xb8: {  	v15 =	vld [tilespmem:s18+$0xC4A0];
	v7 =	vmul.f32 v6, v7  }
0xb9: {  	v6 =	vld [tilespmem:s18+$0x10FA0];
	v8 =	vadd.f32 v10, v8  }
0xba: {  	v16 =	vmul.f32 v7, v11  }
0xbb: {  	v3 =	vadd.f32 v9, v3;
	v9 =	vld [tilespmem:s18+$0x11C20];
	v17 =	vshra.s32 v8, $0x1;
	v10 =	vmul.f32 $5.000000000e-01, v8  }
0xbc: {  	s19 =	simm.s32 $0x30;
	v1 =	vadd.f32 v12, v1;
	v8 =	vsub.s32 $0x5F3759DF, v17;
	v12 =	vmul.f32 v16, v7  }
0xbd: {  	v18 =	vld [tilespmem:s19+$0xEA20];
	v14 =	vadd.f32 v15, v14;
	v3 =	vsub.f32 v3, v13;
	v15 =	vmul.f32 v8, v10  }
0xbe: {  	v19 =	vld [tilespmem:s19+$0xB820];
	v1 =	vsub.f32 v1, v6;
	v12 =	vsub.f32 $1.500000000e+00, v12  }
0xbf: {  	v13 =	vld [tilespmem:s19+$0xDDA0];
	v17 =	vmul.f32 v3, v3;
	v15 =	vmul.f32 v8, v15  }
0xc0: {  	v16 =	vld [tilespmem:s19+$0xABA0];
	v6 =	vsub.f32 v14, v9;
	v9 =	vmul.f32 v1, v1;
	v12 =	vmul.f32 v12, v7  }
0xc1: {  	v20 =	vld [tilespmem:s19+$0xC4A0];
	v14 =	vsub.f32 $1.500000000e+00, v15  }
0xc2: {  	v7 =	vld [tilespmem:s19+$0x10320];
	v9 =	vadd.f32 v9, v17;
	v17 =	vmul.f32 v6, v6;
	v11 =	vmul.f32 v12, v11  }
0xc3: {  	v15 =	vld [tilespmem:s19+$0xF6A0];
	v14 =	vmul.f32 v8, v14  }
0xc4: {  	v8 =	vld [tilespmem:s19+$0x10FA0];
	v9 =	vadd.f32 v17, v9;
	v17 =	vmul.f32 v11, v12  }
0xc5: {  	v22 =	vld [tilespmem:s20+$0xD120];
	v18 =	vadd.f32 v19, v18;
	v13 =	vadd.f32 v16, v13;
	v19 =	vmul.f32 v14, v10  }
0xc6: {  	v23 =	vld [tilespmem:s19+$0x11C20];
	v16 =	vshra.s32 v9, $0x1;
	v11 =	vmul.f32 $5.000000000e-01, v9;
	v9 =	vsub.f32 $1.500000000e+00, v17  }
0xc7: {  	s22 =	simm.s32 $0x40;
	v7 =	vsub.f32 v13, v7;
	v16 =	vsub.s32 $0x5F3759DF, v16;
	v17 =	vmul.f32 v19, v14  }
0xc8: {  	v13 =	vld [tilespmem:s22+$0xDDA0];
	v25 =	vadd.f32 v20, v15;
	v19 =	vmul.f32 v16, v11;
	v9 =	vmul.f32 v9, v12  }
0xc9: {  	v15 =	vld [tilespmem:s22+$0xABA0];
	v8 =	vsub.f32 v18, v8;
	v20 =	vmul.f32 v7, v7;
	v12 =	vsub.f32 $1.500000000e+00, v17  }
0xca: {  	v18 =	vld [tilespmem:s22+$0xB820];
	v26 =	vmul.f32 v16, v19;
	v19 =	vmul.f32 v9, v22  }
0xcb: {  	v17 =	vld [tilespmem:s22+$0xEA20];
	v9 =	vsub.f32 v25, v23;
	v23 =	vmul.f32 v8, v8;
	v12 =	vmul.f32 v12, v14  }
0xcc: {  	s24 =	simm.s32 $0x140;
	v14 =	vld [tilespmem:s22+$0x10320];
	v22 =	vsub.f32 $1.500000000e+00, v26;
	v21 =	vmul.f32 v19, v21;
	v24 =	vmul.f32 v19, v24  }
.LBB2_4:
0xcd: {  	p3 =	sne.s32 s24, $0x31C0;
	v25 =	vld [tilespmem:s22+$0xF6A0];
	v20 =	vadd.f32 v23, v20;
	v23 =	vmul.f32 v9, v9;
	v26 =	vmul.f32 v12, v10;
	v10 =	vmovc v11  }
0xce: {  	v11 =	vmul.f32 v19, v5;
	v28 =	vmovc v7;
	v5 =	vmov v0;
	v27 =	vld [tilespmem:s22+$0xC4A0];
	v22 =	vmul.f32 v16, v22;
	[tilespmem:s20+$0x141A0] =	vst v24  }
0xcf: {  	v0 =	vmovc v1;
	v1 =	vmov v8;
	v19 =	vld [tilespmem:s22+$0x10FA0];
	v7 =	vadd.f32 v23, v20;
	v16 =	vmul.f32 v26, v12;
	[tilespmem:s20+$0x128A0] =	vst v21  }
0xd0: {  	v8 =	vadd.f32 v15, v13;
	v17 =	vadd.f32 v18, v17;
	v13 =	vmul.f32 v22, v10;
	v18 =	vld [tilespmem:s11+$0xD120];
	[tilespmem:s20+$0x13520] =	vst v11;
	s20 =	smov.u32 s11;
	s11 =	smov.u32 s18;
	s18 =	smov.u32 s19  }
0xd1: {  	v24 =	vmovc v4;
	v4 =	vmovc v6;
	s19 =	smov.u32 s22;
	v21 =	vld [tilespmem:s22+$0x11C20];
	v15 =	vshra.s32 v7, $0x1;
	v11 =	vmul.f32 $5.000000000e-01, v7;
	v20 =	vsub.f32 $1.500000000e+00, v16  }
0xd2: {  	v6 =	vmovc v9;
	s22 =	sshra.s32 s24, $0x2;
	v7 =	vsub.f32 v8, v14;
	v16 =	vsub.s32 $0x5F3759DF, v15;
	v14 =	vmul.f32 v13, v22  }
.Ltmp5:
0xd3: {  	v13 =	vld [tilespmem:s22+$0xDDA0];
	v9 =	vadd.f32 v27, v25;
	v23 =	vmul.f32 v16, v11;
	v12 =	vmul.f32 v20, v12;
	(pc) =	sbr.rel @p3 .LBB2_4-.Ltmp5, $4  }
0xd4: {  	v20 =	vmul.f32 v7, v7;
	v15 =	vld [tilespmem:s22+$0xABA0];
	v8 =	vsub.f32 v17, v19;
	v14 =	vsub.f32 $1.500000000e+00, v14  }
0xd5: {  	v17 =	vld [tilespmem:s22+$0xEA20];
	v25 =	vmul.f32 v16, v23;
	v19 =	vmul.f32 v12, v18  }
0xd6: {  	v18 =	vld [tilespmem:s22+$0xB820];
	v9 =	vsub.f32 v9, v21;
	v23 =	vmul.f32 v8, v8;
	v12 =	vmul.f32 v14, v22  }
0xd7: {  	s24 =	sadd.s32 $0x40, s24;
	v14 =	vld [tilespmem:s22+$0x10320];
	v22 =	vsub.f32 $1.500000000e+00, v25;
	v21 =	vmul.f32 v19, v2;
	v24 =	vmul.f32 v19, v24;
	v2 =	vmovc v3;
	v3 =	vmovc v28  }
0xd8: {  	v25 =	vld [tilespmem:s22+$0xF6A0];
	v20 =	vadd.f32 v23, v20;
	v33 =	vmul.f32 v9, v9;
	v10 =	vmul.f32 v12, v10  }
0xd9: {  	v26 =	vld [tilespmem:s22+$0xC4A0];
	v5 =	vmul.f32 v19, v5;
	[tilespmem:s20+$0x141A0] =	vst v24;
	v16 =	vmul.f32 v16, v22  }
0xda: {  	v24 =	vld [tilespmem:s22+$0x10FA0];
	[tilespmem:s20+$0x128A0] =	vst v21;
	v34 =	vadd.f32 v33, v20;
	v10 =	vmul.f32 v10, v12  }
0xdb: {  	v13 =	vadd.f32 v15, v13;
	v35 =	vld [tilespmem:s11+$0xD120];
	v36 =	vadd.f32 v18, v17;
	v37 =	vmul.f32 v16, v11;
	[tilespmem:s20+$0x13520] =	vst v5  }
0xdc: {  	v5 =	vld [tilespmem:s22+$0x11C20];
	v38 =	vshra.s32 v34, $0x1;
	v19 =	vmul.f32 $5.000000000e-01, v34;
	v10 =	vsub.f32 $1.500000000e+00, v10  }
0xdd: {  	v13 =	vsub.f32 v13, v14;
	v39 =	vsub.s32 $0x5F3759DF, v38;
	v17 =	vmul.f32 v37, v16  }
0xde: {  	v40 =	vadd.f32 v26, v25;
	v41 =	vmul.f32 v39, v19;
	v10 =	vmul.f32 v10, v12  }
0xdf: {  	v43 =	vmul.f32 v13, v13;
	v42 =	vsub.f32 v36, v24;
	v17 =	vsub.f32 $1.500000000e+00, v17  }
0xe0: {  	v21 =	vmul.f32 v39, v41;
	v10 =	vmul.f32 v10, v35  }
0xe1: {  	v5 =	vsub.f32 v40, v5;
	v44 =	vmul.f32 v42, v42;
	v16 =	vmul.f32 v17, v16  }
0xe2: {  	v45 =	vsub.f32 $1.500000000e+00, v21;
	v2 =	vmul.f32 v10, v2;
	v4 =	vmul.f32 v10, v4  }
0xe3: {  	v15 =	vadd.f32 v44, v43;
	v46 =	vmul.f32 v5, v5;
	v47 =	vmul.f32 v16, v11  }
0xe4: {  	v14 =	vmul.f32 v39, v45;
	[tilespmem:s11+$0x141A0] =	vst v4  }
0xe5: {  	[tilespmem:s11+$0x128A0] =	vst v2;
	v48 =	vadd.f32 v46, v15;
	v11 =	vmul.f32 v47, v16  }
0xe6: {  	v50 =	vld [tilespmem:s18+$0xD120];
	v49 =	vmul.f32 v14, v19  }
0xe7: {  	v51 =	vshra.s32 v48, $0x1;
	v4 =	vmul.f32 $5.000000000e-01, v48;
	v11 =	vsub.f32 $1.500000000e+00, v11  }
0xe8: {  	v17 =	vsub.s32 $0x5F3759DF, v51;
	v2 =	vmul.f32 v49, v14  }
0xe9: {  	v52 =	vmul.f32 v17, v4;
	v11 =	vmul.f32 v11, v16  }
0xea: {  	v2 =	vsub.f32 $1.500000000e+00, v2  }
0xeb: {  	v53 =	vmul.f32 v17, v52;
	v11 =	vmul.f32 v11, v50  }
0xec: {  	v0 =	vmul.f32 v10, v0;
	v2 =	vmul.f32 v2, v14  }
0xed: {  	v54 =	vsub.f32 $1.500000000e+00, v53;
	v6 =	vmul.f32 v11, v6  }
0xee: {  	[tilespmem:s11+$0x13520] =	vst v0;
	v55 =	vmul.f32 v11, v3;
	v56 =	vmul.f32 v2, v19  }
0xef: {  	v10 =	vmul.f32 v17, v54;
	[tilespmem:s18+$0x141A0] =	vst v6  }
0xf0: {  	[tilespmem:s18+$0x128A0] =	vst v55;
	v3 =	vmul.f32 v56, v2  }
0xf1: {  	v6 =	vld [tilespmem:s19+$0xD120];
	v57 =	vmul.f32 v10, v4  }
0xf2: {  	v3 =	vsub.f32 $1.500000000e+00, v3  }
0xf3: {  	v0 =	vmul.f32 v57, v10  }
0xf4: {  	v2 =	vmul.f32 v3, v2  }
0xf5: {  	v0 =	vsub.f32 $1.500000000e+00, v0  }
0xf6: {  	v2 =	vmul.f32 v2, v6  }
0xf7: {  	v1 =	vmul.f32 v11, v1;
	v0 =	vmul.f32 v0, v10  }
0xf8: {  	v58 =	vmul.f32 v2, v9  }
0xf9: {  	[tilespmem:s18+$0x13520] =	vst v1;
	v59 =	vmul.f32 v2, v7;
	v4 =	vmul.f32 v0, v4  }
0xfa: {  	[tilespmem:s19+$0x141A0] =	vst v58  }
0xfb: {  	[tilespmem:s19+$0x128A0] =	vst v59;
	v60 =	vmul.f32 v4, v0  }
0xfc: {  	v1 =	vld [tilespmem:s22+$0xD120]  }
0xfd: {  	v3 =	vsub.f32 $1.500000000e+00, v60;
	_ =	sdelay $0x1  }
0xfe: {  	v0 =	vmul.f32 v3, v0;
	_ =	sdelay $0x1  }
0xff: {  	v0 =	vmul.f32 v0, v1  }
0x100: {  	v61 =	vmul.f32 v2, v8  }
0x101: {  	v62 =	vmul.f32 v0, v5  }
0x102: {  	[tilespmem:s19+$0x13520] =	vst v61;
	v63 =	vmul.f32 v0, v13  }
0x103: {  	v0 =	vmul.f32 v0, v42;
	[tilespmem:s22+$0x141A0] =	vst v62  }
0x104: {  	[tilespmem:s22+$0x128A0] =	vst v63  }
0x105: {  	[tilespmem:s22+$0x13520] =	vst v0  }
0x106: {  	[spmem:s6] =	stream.indirect.scatter.add.f32 [tilespmem:s9], [sflag:$0x4], $0x1, s29, s3, $0xb8;
	[tilespmem:$0x14E20] =	vst v63  }
0x107: {  	_ =	swait.ge [sflag:s30], $0xC80  }
0x108: {  	[sflag:s30] =	ssyncset.done $0x0  }
0x109: {  	[sflag:s30] =	ssyncadd.s32 $0xFFFFF380  }
0x10a: {  	[spmem:s7] =	stream.indirect.scatter.add.f32 [tilespmem:s0], [sflag:$0x4], $0x1, s29, s3, $0xb8;
	[tilespmem:$0x14E20] =	vst v63  }
0x10b: {  	_ =	swait.ge [sflag:s30], $0xC80  }
0x10c: {  	[sflag:s30] =	ssyncset.done $0x0  }
.Ltmp6:
0x10d: {  	[sflag:s30] =	ssyncadd.s32 $0xFFFFF380;
	(pc) =	sbr.rel .LBB2_6-.Ltmp6, $4  }
0x10e: {  	[spmem:s8] =	stream.indirect.scatter.add.f32 [tilespmem:s1], [sflag:$0x3], $0x1, s29, s3, $0xb8;
	[tilespmem:$0x14E20] =	vst v63  }
0x10f: {  	_ =	swait.ge [sflag:s23], $0xC80  }
0x110: {  	[sflag:s23] =	ssyncset.done $0x0  }
0x111: {  	[sflag:s23] =	ssyncadd.s32 $0xFFFFF380  }
.LBB2_8:
0x112: {  	_ =	sfence.sel $0x180000  }
0x113: {  	[bflag:$0x0] =	sbarrier.arrive $0xFFFF  }
0x114: {  	_ =	strace $0x90000047  }
0x115: {  	[bflag:$0x2] =	sbarrier.arrive $0xFFFF  }
0x116: {  	s0 =	rddreg [dreg:$0x8]  }
0x117: {  	s0 =	sadd.s32 @!p0 $0x100000, s0  }
0x118: {  	[sflag:s0] =	ssyncadd.tile.s32 @!p0 $0x1;
	_ =	shalt  }
.Lfunc_end2:
_tile_overlayer_lowered:
.L_overlay_start_2:
0x119: {  	(tag) =	ssettag $0x2  }
0x11a: {  	s0 =	rddreg [dreg:$0x0];
	s2 =	stileid.u32  }
0x11b: {  	s1 =	rddreg [dreg:$0x1];
	p0 =	sne.s32 s2, $0x0  }
0x11c: {  	s3 =	rddreg [dreg:$0x2];
	[bflag:$0x3] =	sbarrier.arrive $0xFFFF;
	s2 =	simm.s32 @!p0 $0x1C03  }
0x11d: {  	[timem:s3], [sflag:s2] =	dma.local @!p0 [hbm:s0], s1  }
0x11e: {  	s0 =	simm.s32 @!p0 $0x3  }
0x11f: {  	_ =	swait.ge @!p0 [sflag:s0], s1  }
0x120: {  	s1 =	ssub.s32 @!p0 $0x0, s1;
	[sflag:s0] =	ssyncset.done @!p0 $0x0  }
0x121: {  	[sflag:s0] =	ssyncadd.s32 @!p0 s1  }
0x122: {  	[bflag:$0x3] =	sbarrier.arrive $0xFFFF  }
0x123: {  	_ =	shalt  }

</sc_bundles>
